<compile_context>
chip_gen: v7x
topology: tpu7x:2x2x1
jax: 0.10.2.dev20260603
libtpu: 0.0.44.dev20260713+nightly
codegen_flags: <defaults>
</compile_context>

<pallas_src>
import functools

import jax
import jax.numpy as jnp
import numpy as np
from jax import lax
from jax.experimental import pallas as pl
from jax.experimental.pallas import tpu as pltpu
from jax.experimental.pallas import tpu_sc as plsc

VOCAB = 25
EMBED = 128
SEQ = 100
BATCH = 4096

VSLOT = 32
NC, NS = 2, 16
NW = NC * NS
KBUF = 4
SEQ_PER_W = BATCH // NW


def _positional_encoding(max_len, d_model):
    position = np.arange(max_len)[:, None].astype(np.float64)
    div_term = np.exp(np.arange(0, d_model, 2).astype(np.float64)
                      * (-np.log(10000.0) / d_model))
    pe = np.zeros((max_len, d_model), dtype=np.float32)
    pe[:, 0::2] = np.sin(position * div_term)
    pe[:, 1::2] = np.cos(position * div_term)
    return pe


SEQ_TAB = 104

_PE = np.zeros((SEQ_TAB, EMBED), dtype=np.float32)
_PE[:SEQ] = _positional_encoding(SEQ, EMBED)


def _table_body(tok_ref, phys_ref, w_ref, b_ref, pe_ref, g_ref, beta_ref, out_ref):
    vmask = (lax.broadcasted_iota(jnp.int32, (VOCAB, 1), 0) != 0).astype(jnp.float32)
    tok = tok_ref[...] * vmask
    phys = phys_ref[...] * vmask
    w = w_ref[...]
    w_tok = w[:, :EMBED]
    w_phys = w[:, EMBED:]
    dn = (((1,), (1,)), ((), ()))
    tv = (lax.dot_general(tok, w_tok, dn, preferred_element_type=jnp.float32)
          + lax.dot_general(phys, w_phys, dn, preferred_element_type=jnp.float32))
    pos = (lax.dot_general(pe_ref[...], w_tok, dn, preferred_element_type=jnp.float32)
           + b_ref[...][None, :])
    tv32 = jnp.concatenate([tv, jnp.zeros((VSLOT - VOCAB, EMBED), jnp.float32)], 0)
    fused = pos[:, None, :] + tv32[None, :, :]
    mean = jnp.mean(fused, axis=-1, keepdims=True)
    var = jnp.mean((fused - mean) ** 2, axis=-1, keepdims=True)
    out_ref[...] = ((fused - mean) * lax.rsqrt(var + 1e-5)
                    * g_ref[...][None, None, :] + beta_ref[...][None, None, :])


def _build_table(tok_table, phys_table, fusion_W, fusion_b, pe, ln_gamma, ln_beta):
    return pl.pallas_call(
        _table_body,
        out_shape=jax.ShapeDtypeStruct((SEQ_TAB, VSLOT, EMBED), jnp.float32),
    )(tok_table, phys_table, fusion_W, fusion_b, pe, ln_gamma, ln_beta)


CHUNK = 128
N_CHUNKS = BATCH * SEQ // NW // CHUNK


def _gather_body(table_hbm, x_hbm, out_hbm, xv, idxv, tslice, rows, *sems):
    gsems, wsems = sems[:KBUF], sems[KBUF:]
    wid = lax.axis_index("s") * NC + lax.axis_index("c")
    n_elems = SEQ_PER_W * SEQ
    base = wid * n_elems
    pltpu.sync_copy(x_hbm.at[pl.ds(base, n_elems)], xv)
    @pl.when(lax.axis_index("s") == 0)
    def _():
        pltpu.sync_copy(table_hbm, tslice)

    def idx_body(c, _):
        l_c = (base + c * CHUNK) // BATCH
        for k in range(CHUNK // 16):
            idxv[c, pl.ds(k * 16, 16)] = (xv[pl.ds(c * CHUNK + k * 16, 16)]
                                          + l_c * VSLOT)
        return 0

    lax.fori_loop(0, N_CHUNKS, idx_body, 0)
    plsc.subcore_barrier()

    def issue_gather(c, b):
        pltpu.async_copy(tslice.at[idxv.at[c]], rows.at[b], gsems[b])

    def out_slice(c):
        return out_hbm.at[pl.ds(base + c * CHUNK, CHUNK)]

    for b in range(KBUF):
        issue_gather(b, b)

    def round_body(g, _):
        for b in range(KBUF):
            c = g * KBUF + b
            pltpu.make_async_copy(tslice.at[idxv.at[0]],
                                  rows.at[b], gsems[b]).wait()
            pltpu.async_copy(rows.at[b], out_slice(c), wsems[b])
        for b in range(KBUF):
            c = g * KBUF + b
            pltpu.make_async_copy(rows.at[b], out_slice(c), wsems[b]).wait()
            nxt = c + KBUF

            @pl.when(nxt < N_CHUNKS)
            def _():
                issue_gather(nxt, b)
        return 0

    lax.fori_loop(0, N_CHUNKS // KBUF, round_body, 0)


@jax.jit
def kernel(x, tok_table, phys_table, fusion_W, fusion_b, ln_gamma, ln_beta):
    pe = jnp.asarray(_PE)
    table = _build_table(tok_table, phys_table, fusion_W, fusion_b,
                         pe, ln_gamma, ln_beta)
    table2d = table.reshape(SEQ_TAB * VSLOT, EMBED)

    mesh = plsc.VectorSubcoreMesh(core_axis_name="c", subcore_axis_name="s")
    gather = functools.partial(
        pl.kernel,
        mesh=mesh,
        compiler_params=pltpu.CompilerParams(use_tc_tiling_on_sc=True),
        out_type=jax.ShapeDtypeStruct((SEQ * BATCH, EMBED), jnp.float32),
        scratch_types=[
            pltpu.VMEM((N_CHUNKS * CHUNK,), jnp.int32),
            pltpu.VMEM((N_CHUNKS, CHUNK), jnp.int32),
            pltpu.VMEM_SHARED((SEQ_TAB * VSLOT, EMBED), jnp.float32),
            pltpu.VMEM((KBUF, CHUNK, EMBED), jnp.float32),
        ] + [pltpu.SemaphoreType.DMA] * (2 * KBUF),
    )(_gather_body)
    out = gather(table2d, x.astype(jnp.int32).T.reshape(-1))
    return out.reshape(SEQ, BATCH, EMBED).transpose(1, 0, 2)

# --- scband reference (transcript-rebuilt; emitter-appended) ---
"""Pipeline reference for scband-protein-embedding-63608465654497 (READ-ONLY COPY).

The authoritative reference and input builder live on the scoring server;
editing this copy changes nothing except your own understanding.
"""

import jax, jax.numpy as jnp
import numpy as np

VOCAB = 25
EMBED = 128
PHYS = 64
MAXLEN = 100
BATCH = 4096
SEQ = 100


def _sinusoidal(max_len, d_model):
    position = np.arange(max_len)[:, None].astype(np.float64)
    div_term = np.exp(np.arange(0, d_model, 2).astype(np.float64) * (-np.log(10000.0) / d_model))
    pe = np.zeros((max_len, d_model), dtype=np.float32)
    pe[:, 0::2] = np.sin(position * div_term)
    pe[:, 1::2] = np.cos(position * div_term)
    return jnp.asarray(pe)


def setup_inputs(seed: int = 0) -> dict:
    key = jax.random.key(seed)
    k0, k1, k2, k3, k4 = jax.random.split(key, 5)
    x = jax.random.randint(k0, (BATCH, SEQ), 0, VOCAB)
    tok_table = jax.random.normal(k1, (VOCAB, EMBED), dtype=jnp.float32)
    tok_table = tok_table.at[0].set(0.0)  # padding_idx=0
    phys_table = jax.random.normal(k2, (VOCAB, PHYS), dtype=jnp.float32)
    phys_table = phys_table.at[0].set(0.0)  # padding_idx=0
    fusion_W = jax.random.normal(k3, (EMBED, EMBED + PHYS), dtype=jnp.float32) * (1.0 / np.sqrt(EMBED + PHYS))
    fusion_b = jax.random.normal(k4, (EMBED,), dtype=jnp.float32) * 0.01
    ln_gamma = jnp.ones((EMBED,), dtype=jnp.float32)
    ln_beta = jnp.zeros((EMBED,), dtype=jnp.float32)
    return {
        "x": x,
        "tok_table": tok_table,
        "phys_table": phys_table,
        "fusion_W": fusion_W,
        "fusion_b": fusion_b,
        "ln_gamma": ln_gamma,
        "ln_beta": ln_beta,
    }


def reference(x, tok_table, phys_table, fusion_W, fusion_b, ln_gamma, ln_beta):
    L = x.shape[1]
    pe = _sinusoidal(MAXLEN, EMBED)[:L]
    # padding_idx=0: row 0 of each table is forced to zero
    pad_mask_tok = (jnp.arange(VOCAB) != 0).astype(tok_table.dtype)[:, None]
    pad_mask_phys = (jnp.arange(VOCAB) != 0).astype(phys_table.dtype)[:, None]
    token_emb = jnp.take(tok_table * pad_mask_tok, x, axis=0)  # [B, L, EMBED]
    token_emb = token_emb + pe[None, :, :]
    physchem_emb = jnp.take(phys_table * pad_mask_phys, x, axis=0)  # [B, L, PHYS]
    combined = jnp.concatenate([token_emb, physchem_emb], axis=-1)  # [B, L, EMBED+PHYS]
    fused = jnp.einsum('bld,od->blo', combined, fusion_W) + fusion_b
    mean = jnp.mean(fused, axis=-1, keepdims=True)
    var = jnp.mean((fused - mean) ** 2, axis=-1, keepdims=True)
    out = (fused - mean) / jnp.sqrt(var + 1e-5) * ln_gamma + ln_beta
    return out

if __name__ == "__main__":
    import jax
    _d = setup_inputs()
    print(jax.jit(kernel)(*tuple(_d.values())))

</pallas_src>

<mosaic_0001>
#map = affine_map<(d0, d1) -> (0, 0)>
#map1 = affine_map<(d0, d1) -> (0)>
module attributes {stable_mosaic.version = 14 : i64} {
  func.func @_gather_body(%arg0: i32, %arg1: i32, %arg2: memref<3328x128xf32, #tpu.memory_space<hbm>>, %arg3: memref<409600xi32, #tpu.memory_space<hbm>>, %arg4: memref<409600x128xf32, #tpu.memory_space<hbm>>, %arg5: memref<12800xi32, #tpu.memory_space<vmem>>, %arg6: memref<100x128xi32, #tpu.memory_space<vmem>>, %arg7: memref<3328x128xf32, #tpu.memory_space<vmem_shared>>, %arg8: memref<4x128x128xf32, #tpu.memory_space<vmem>>, %arg9: memref<!tpu.dma_semaphore, #tpu.memory_space<semaphore_mem>>, %arg10: memref<!tpu.dma_semaphore, #tpu.memory_space<semaphore_mem>>, %arg11: memref<!tpu.dma_semaphore, #tpu.memory_space<semaphore_mem>>, %arg12: memref<!tpu.dma_semaphore, #tpu.memory_space<semaphore_mem>>, %arg13: memref<!tpu.dma_semaphore, #tpu.memory_space<semaphore_mem>>, %arg14: memref<!tpu.dma_semaphore, #tpu.memory_space<semaphore_mem>>, %arg15: memref<!tpu.dma_semaphore, #tpu.memory_space<semaphore_mem>>, %arg16: memref<!tpu.dma_semaphore, #tpu.memory_space<semaphore_mem>>) attributes {dimension_semantics = [#tpu.dimension_semantics<core_parallel>, #tpu.dimension_semantics<subcore_parallel>], iteration_bounds = array<i64: 2, 16>, scalar_prefetch = 0 : i64, scratch_operands = 12 : i64, tpu.core_type = #tpu.core_type<sc_vector_subcore>, window_params = [{transform_indices = #map}, {transform_indices = #map1}, {transform_indices = #map}]} {
    %mul3A = arith.constant 2 : i32
    %mul3A_0 = arith.muli %arg1, %mul3A : i32
    %add3A = arith.addi %mul3A_0, %arg0 : i32
    %mul3A_1 = arith.constant 12800 : i32
    %mul3A_2 = arith.muli %add3A, %mul3A_1 : i32
    "tpu.region"() ({
      %run_scoped3A = tpu.sem_alloc : memref<!tpu.dma_semaphore, #tpu.memory_space<semaphore_mem>>
      %dma_start3A_65 = tpu.memref_slice %arg3[%mul3A_2] : memref<409600xi32, #tpu.memory_space<hbm>> -> memref<12800xi32, #tpu.memory_space<hbm>>
      %dma_start3A_66 = tpu.memref_slice %arg3[%mul3A_2] : memref<409600xi32, #tpu.memory_space<hbm>> -> memref<12800xi32, #tpu.memory_space<hbm>>
      tpu.enqueue_dma source(%dma_start3A_66 : memref<12800xi32, #tpu.memory_space<hbm>>) target(%arg5 : memref<12800xi32, #tpu.memory_space<vmem>>) target_semaphore(%run_scoped3A : memref<!tpu.dma_semaphore, #tpu.memory_space<semaphore_mem>>)
      %dma_wait3A = tpu.memref_slice %arg3[%mul3A_2] : memref<409600xi32, #tpu.memory_space<hbm>> -> memref<12800xi32, #tpu.memory_space<hbm>>
      %dma_wait3A_67 = tpu.memref_slice %arg3[%mul3A_2] : memref<409600xi32, #tpu.memory_space<hbm>> -> memref<12800xi32, #tpu.memory_space<hbm>>
      tpu.wait_dma2 semaphore(%run_scoped3A : memref<!tpu.dma_semaphore, #tpu.memory_space<semaphore_mem>>) src(%dma_wait3A_67 : memref<12800xi32, #tpu.memory_space<hbm>>) dst(%arg5 : memref<12800xi32, #tpu.memory_space<vmem>>)
      tpu.yield
    }) : () -> ()
    %eq3A = arith.constant 0 : i32
    %eq3A_3 = arith.cmpi eq, %arg1, %eq3A : i32
    %convert_element_type3A = arith.extui %eq3A_3 : i1 to i32
    %cond3A = arith.constant 0 : i32
    %cond3A_4 = arith.cmpi ne, %convert_element_type3A, %cond3A : i32
    scf.if %cond3A_4 {
      "tpu.region"() ({
        %run_scoped3A = tpu.sem_alloc : memref<!tpu.dma_semaphore, #tpu.memory_space<semaphore_mem>>
        tpu.enqueue_dma source(%arg2 : memref<3328x128xf32, #tpu.memory_space<hbm>>) target(%arg7 : memref<3328x128xf32, #tpu.memory_space<vmem_shared>>) target_semaphore(%run_scoped3A : memref<!tpu.dma_semaphore, #tpu.memory_space<semaphore_mem>>)
        tpu.wait_dma2 semaphore(%run_scoped3A : memref<!tpu.dma_semaphore, #tpu.memory_space<semaphore_mem>>) src(%arg2 : memref<3328x128xf32, #tpu.memory_space<hbm>>) dst(%arg7 : memref<3328x128xf32, #tpu.memory_space<vmem_shared>>)
        tpu.yield
      }) : () -> ()
    } else {
    }
    %scan3A = arith.constant 0 : i32
    %scan3A_5 = arith.constant 0 : i32
    %scan3A_6 = arith.constant 100 : i32
    %scan3A_7 = arith.addi %scan3A_5, %scan3A_6 : i32
    %scan3A_8 = arith.constant 1 : i32
    %scan3A_9 = scf.for %scan3A_65 = %scan3A_5 to %scan3A_7 step %scan3A_8 iter_args(%scan3A_66 = %scan3A) -> (i32)  : i32 {
      %mul3A_67 = arith.constant 128 : i32
      %mul3A_68 = arith.muli %scan3A_65, %mul3A_67 : i32
      %add3A_69 = arith.addi %mul3A_2, %mul3A_68 : i32
      %jit3A = arith.constant 4096 : i32
      %div3A = arith.divsi %add3A_69, %jit3A : i32
      %sign3A = arith.constant 0 : i32
      %sign3A_70 = arith.cmpi sgt, %add3A_69, %sign3A : i32
      %sign3A_71 = arith.extui %sign3A_70 : i1 to i32
      %sign3A_72 = arith.constant 0 : i32
      %sign3A_73 = arith.cmpi slt, %add3A_69, %sign3A_72 : i32
      %sign3A_74 = arith.extui %sign3A_73 : i1 to i32
      %sign3A_75 = arith.subi %sign3A_71, %sign3A_74 : i32
      %sign3A_76 = arith.constant 0 : i32
      %sign3A_77 = arith.cmpi sgt, %jit3A, %sign3A_76 : i32
      %sign3A_78 = arith.extui %sign3A_77 : i1 to i32
      %sign3A_79 = arith.constant 0 : i32
      %sign3A_80 = arith.cmpi slt, %jit3A, %sign3A_79 : i32
      %sign3A_81 = arith.extui %sign3A_80 : i1 to i32
      %sign3A_82 = arith.subi %sign3A_78, %sign3A_81 : i32
      %ne3A = arith.cmpi ne, %sign3A_75, %sign3A_82 : i32
      %rem3A = arith.remsi %add3A_69, %jit3A : i32
      %ne3A_83 = arith.constant 0 : i32
      %ne3A_84 = arith.cmpi ne, %rem3A, %ne3A_83 : i32
      %and3A = arith.andi %ne3A, %ne3A_84 : i1
      %sub3A = arith.constant 1 : i32
      %sub3A_85 = arith.subi %div3A, %sub3A : i32
      %select_n3A = arith.select %and3A, %sub3A_85, %div3A : i32
      %mul3A_86 = arith.constant 128 : i32
      %mul3A_87 = arith.muli %scan3A_65, %mul3A_86 : i32
      %add3A_88 = arith.constant 0 : i32
      %add3A_89 = arith.addi %mul3A_87, %add3A_88 : i32
      %get3A = arith.index_cast %add3A_89 : i32 to index
      %get3A_90 = tpu.vector_load %arg5[%get3A] {strides = array<i32>} : memref<12800xi32, #tpu.memory_space<vmem>>, vector<16xi32>,
      %get3A_91 = vector.shape_cast %get3A_90 : vector<16xi32> to vector<16xi32>
      %mul3A_92 = arith.constant 32 : i32
      %mul3A_93 = arith.muli %select_n3A, %mul3A_92 : i32
      %add3A_94 = vector.broadcast %mul3A_93 : i32 to vector<16xi32>
      %add3A_95 = arith.addi %get3A_91, %add3A_94 : vector<16xi32>
      %swap3A = arith.index_cast %scan3A_65 : i32 to index
      %swap3A_96 = arith.constant 0 : index
      %swap3A_97 = tpu.vector_load %arg6[%swap3A, %swap3A_96] {strides = array<i32>} : memref<100x128xi32, #tpu.memory_space<vmem>>, vector<1x16xi32>,
      %swap3A_98 = vector.shape_cast %swap3A_97 : vector<1x16xi32> to vector<16xi32>
      %swap3A_99 = vector.shape_cast %add3A_95 : vector<16xi32> to vector<1x16xi32>
      tpu.vector_store %arg6[%swap3A, %swap3A_96], %swap3A_99 {strides = array<i32>} : memref<100x128xi32, #tpu.memory_space<vmem>>, vector<1x16xi32>,
      %mul3A_100 = arith.constant 128 : i32
      %mul3A_101 = arith.muli %scan3A_65, %mul3A_100 : i32
      %add3A_102 = arith.constant 16 : i32
      %add3A_103 = arith.addi %mul3A_101, %add3A_102 : i32
      %get3A_104 = arith.index_cast %add3A_103 : i32 to index
      %get3A_105 = tpu.vector_load %arg5[%get3A_104] {strides = array<i32>} : memref<12800xi32, #tpu.memory_space<vmem>>, vector<16xi32>,
      %get3A_106 = vector.shape_cast %get3A_105 : vector<16xi32> to vector<16xi32>
      %mul3A_107 = arith.constant 32 : i32
      %mul3A_108 = arith.muli %select_n3A, %mul3A_107 : i32
      %add3A_109 = vector.broadcast %mul3A_108 : i32 to vector<16xi32>
      %add3A_110 = arith.addi %get3A_106, %add3A_109 : vector<16xi32>
      %swap3A_111 = arith.index_cast %scan3A_65 : i32 to index
      %swap3A_112 = arith.constant 16 : index
      %swap3A_113 = tpu.vector_load %arg6[%swap3A_111, %swap3A_112] {strides = array<i32>} : memref<100x128xi32, #tpu.memory_space<vmem>>, vector<1x16xi32>,
      %swap3A_114 = vector.shape_cast %swap3A_113 : vector<1x16xi32> to vector<16xi32>
      %swap3A_115 = vector.shape_cast %add3A_110 : vector<16xi32> to vector<1x16xi32>
      tpu.vector_store %arg6[%swap3A_111, %swap3A_112], %swap3A_115 {strides = array<i32>} : memref<100x128xi32, #tpu.memory_space<vmem>>, vector<1x16xi32>,
      %mul3A_116 = arith.constant 128 : i32
      %mul3A_117 = arith.muli %scan3A_65, %mul3A_116 : i32
      %add3A_118 = arith.constant 32 : i32
      %add3A_119 = arith.addi %mul3A_117, %add3A_118 : i32
      %get3A_120 = arith.index_cast %add3A_119 : i32 to index
      %get3A_121 = tpu.vector_load %arg5[%get3A_120] {strides = array<i32>} : memref<12800xi32, #tpu.memory_space<vmem>>, vector<16xi32>,
      %get3A_122 = vector.shape_cast %get3A_121 : vector<16xi32> to vector<16xi32>
      %mul3A_123 = arith.constant 32 : i32
      %mul3A_124 = arith.muli %select_n3A, %mul3A_123 : i32
      %add3A_125 = vector.broadcast %mul3A_124 : i32 to vector<16xi32>
      %add3A_126 = arith.addi %get3A_122, %add3A_125 : vector<16xi32>
      %swap3A_127 = arith.index_cast %scan3A_65 : i32 to index
      %swap3A_128 = arith.constant 32 : index
      %swap3A_129 = tpu.vector_load %arg6[%swap3A_127, %swap3A_128] {strides = array<i32>} : memref<100x128xi32, #tpu.memory_space<vmem>>, vector<1x16xi32>,
      %swap3A_130 = vector.shape_cast %swap3A_129 : vector<1x16xi32> to vector<16xi32>
      %swap3A_131 = vector.shape_cast %add3A_126 : vector<16xi32> to vector<1x16xi32>
      tpu.vector_store %arg6[%swap3A_127, %swap3A_128], %swap3A_131 {strides = array<i32>} : memref<100x128xi32, #tpu.memory_space<vmem>>, vector<1x16xi32>,
      %mul3A_132 = arith.constant 128 : i32
      %mul3A_133 = arith.muli %scan3A_65, %mul3A_132 : i32
      %add3A_134 = arith.constant 48 : i32
      %add3A_135 = arith.addi %mul3A_133, %add3A_134 : i32
      %get3A_136 = arith.index_cast %add3A_135 : i32 to index
      %get3A_137 = tpu.vector_load %arg5[%get3A_136] {strides = array<i32>} : memref<12800xi32, #tpu.memory_space<vmem>>, vector<16xi32>,
      %get3A_138 = vector.shape_cast %get3A_137 : vector<16xi32> to vector<16xi32>
      %mul3A_139 = arith.constant 32 : i32
      %mul3A_140 = arith.muli %select_n3A, %mul3A_139 : i32
      %add3A_141 = vector.broadcast %mul3A_140 : i32 to vector<16xi32>
      %add3A_142 = arith.addi %get3A_138, %add3A_141 : vector<16xi32>
      %swap3A_143 = arith.index_cast %scan3A_65 : i32 to index
      %swap3A_144 = arith.constant 48 : index
      %swap3A_145 = tpu.vector_load %arg6[%swap3A_143, %swap3A_144] {strides = array<i32>} : memref<100x128xi32, #tpu.memory_space<vmem>>, vector<1x16xi32>,
      %swap3A_146 = vector.shape_cast %swap3A_145 : vector<1x16xi32> to vector<16xi32>
      %swap3A_147 = vector.shape_cast %add3A_142 : vector<16xi32> to vector<1x16xi32>
      tpu.vector_store %arg6[%swap3A_143, %swap3A_144], %swap3A_147 {strides = array<i32>} : memref<100x128xi32, #tpu.memory_space<vmem>>, vector<1x16xi32>,
      %mul3A_148 = arith.constant 128 : i32
      %mul3A_149 = arith.muli %scan3A_65, %mul3A_148 : i32
      %add3A_150 = arith.constant 64 : i32
      %add3A_151 = arith.addi %mul3A_149, %add3A_150 : i32
      %get3A_152 = arith.index_cast %add3A_151 : i32 to index
      %get3A_153 = tpu.vector_load %arg5[%get3A_152] {strides = array<i32>} : memref<12800xi32, #tpu.memory_space<vmem>>, vector<16xi32>,
      %get3A_154 = vector.shape_cast %get3A_153 : vector<16xi32> to vector<16xi32>
      %mul3A_155 = arith.constant 32 : i32
      %mul3A_156 = arith.muli %select_n3A, %mul3A_155 : i32
      %add3A_157 = vector.broadcast %mul3A_156 : i32 to vector<16xi32>
      %add3A_158 = arith.addi %get3A_154, %add3A_157 : vector<16xi32>
      %swap3A_159 = arith.index_cast %scan3A_65 : i32 to index
      %swap3A_160 = arith.constant 64 : index
      %swap3A_161 = tpu.vector_load %arg6[%swap3A_159, %swap3A_160] {strides = array<i32>} : memref<100x128xi32, #tpu.memory_space<vmem>>, vector<1x16xi32>,
      %swap3A_162 = vector.shape_cast %swap3A_161 : vector<1x16xi32> to vector<16xi32>
      %swap3A_163 = vector.shape_cast %add3A_158 : vector<16xi32> to vector<1x16xi32>
      tpu.vector_store %arg6[%swap3A_159, %swap3A_160], %swap3A_163 {strides = array<i32>} : memref<100x128xi32, #tpu.memory_space<vmem>>, vector<1x16xi32>,
      %mul3A_164 = arith.constant 128 : i32
      %mul3A_165 = arith.muli %scan3A_65, %mul3A_164 : i32
      %add3A_166 = arith.constant 80 : i32
      %add3A_167 = arith.addi %mul3A_165, %add3A_166 : i32
      %get3A_168 = arith.index_cast %add3A_167 : i32 to index
      %get3A_169 = tpu.vector_load %arg5[%get3A_168] {strides = array<i32>} : memref<12800xi32, #tpu.memory_space<vmem>>, vector<16xi32>,
      %get3A_170 = vector.shape_cast %get3A_169 : vector<16xi32> to vector<16xi32>
      %mul3A_171 = arith.constant 32 : i32
      %mul3A_172 = arith.muli %select_n3A, %mul3A_171 : i32
      %add3A_173 = vector.broadcast %mul3A_172 : i32 to vector<16xi32>
      %add3A_174 = arith.addi %get3A_170, %add3A_173 : vector<16xi32>
      %swap3A_175 = arith.index_cast %scan3A_65 : i32 to index
      %swap3A_176 = arith.constant 80 : index
      %swap3A_177 = tpu.vector_load %arg6[%swap3A_175, %swap3A_176] {strides = array<i32>} : memref<100x128xi32, #tpu.memory_space<vmem>>, vector<1x16xi32>,
      %swap3A_178 = vector.shape_cast %swap3A_177 : vector<1x16xi32> to vector<16xi32>
      %swap3A_179 = vector.shape_cast %add3A_174 : vector<16xi32> to vector<1x16xi32>
      tpu.vector_store %arg6[%swap3A_175, %swap3A_176], %swap3A_179 {strides = array<i32>} : memref<100x128xi32, #tpu.memory_space<vmem>>, vector<1x16xi32>,
      %mul3A_180 = arith.constant 128 : i32
      %mul3A_181 = arith.muli %scan3A_65, %mul3A_180 : i32
      %add3A_182 = arith.constant 96 : i32
      %add3A_183 = arith.addi %mul3A_181, %add3A_182 : i32
      %get3A_184 = arith.index_cast %add3A_183 : i32 to index
      %get3A_185 = tpu.vector_load %arg5[%get3A_184] {strides = array<i32>} : memref<12800xi32, #tpu.memory_space<vmem>>, vector<16xi32>,
      %get3A_186 = vector.shape_cast %get3A_185 : vector<16xi32> to vector<16xi32>
      %mul3A_187 = arith.constant 32 : i32
      %mul3A_188 = arith.muli %select_n3A, %mul3A_187 : i32
      %add3A_189 = vector.broadcast %mul3A_188 : i32 to vector<16xi32>
      %add3A_190 = arith.addi %get3A_186, %add3A_189 : vector<16xi32>
      %swap3A_191 = arith.index_cast %scan3A_65 : i32 to index
      %swap3A_192 = arith.constant 96 : index
      %swap3A_193 = tpu.vector_load %arg6[%swap3A_191, %swap3A_192] {strides = array<i32>} : memref<100x128xi32, #tpu.memory_space<vmem>>, vector<1x16xi32>,
      %swap3A_194 = vector.shape_cast %swap3A_193 : vector<1x16xi32> to vector<16xi32>
      %swap3A_195 = vector.shape_cast %add3A_190 : vector<16xi32> to vector<1x16xi32>
      tpu.vector_store %arg6[%swap3A_191, %swap3A_192], %swap3A_195 {strides = array<i32>} : memref<100x128xi32, #tpu.memory_space<vmem>>, vector<1x16xi32>,
      %mul3A_196 = arith.constant 128 : i32
      %mul3A_197 = arith.muli %scan3A_65, %mul3A_196 : i32
      %add3A_198 = arith.constant 112 : i32
      %add3A_199 = arith.addi %mul3A_197, %add3A_198 : i32
      %get3A_200 = arith.index_cast %add3A_199 : i32 to index
      %get3A_201 = tpu.vector_load %arg5[%get3A_200] {strides = array<i32>} : memref<12800xi32, #tpu.memory_space<vmem>>, vector<16xi32>,
      %get3A_202 = vector.shape_cast %get3A_201 : vector<16xi32> to vector<16xi32>
      %mul3A_203 = arith.constant 32 : i32
      %mul3A_204 = arith.muli %select_n3A, %mul3A_203 : i32
      %add3A_205 = vector.broadcast %mul3A_204 : i32 to vector<16xi32>
      %add3A_206 = arith.addi %get3A_202, %add3A_205 : vector<16xi32>
      %swap3A_207 = arith.index_cast %scan3A_65 : i32 to index
      %swap3A_208 = arith.constant 112 : index
      %swap3A_209 = tpu.vector_load %arg6[%swap3A_207, %swap3A_208] {strides = array<i32>} : memref<100x128xi32, #tpu.memory_space<vmem>>, vector<1x16xi32>,
      %swap3A_210 = vector.shape_cast %swap3A_209 : vector<1x16xi32> to vector<16xi32>
      %swap3A_211 = vector.shape_cast %add3A_206 : vector<16xi32> to vector<1x16xi32>
      tpu.vector_store %arg6[%swap3A_207, %swap3A_208], %swap3A_211 {strides = array<i32>} : memref<100x128xi32, #tpu.memory_space<vmem>>, vector<1x16xi32>,
      %scan3A_212 = arith.constant 0 : i32
      scf.yield %scan3A_212 : i32
    }
    %scan3A_10 = arith.constant 100 : i32
    %barrier3A = arith.constant 0 : index
    tpu.barrier barrier_id(%barrier3A)
    %dma_start3A = arith.constant 0 : i32
    %dma_start3A_11 = arith.constant 0 : i32
    %dma_start3A_12 = arith.constant 0 : i32
    %dma_start3A_13 = arith.constant 0 : i32
    %dma_start3A_14 = tpu.memref_slice %arg8[%dma_start3A_11, %dma_start3A_12, %dma_start3A_13] : memref<4x128x128xf32, #tpu.memory_space<vmem>> -> memref<1x128x128xf32, #tpu.memory_space<vmem>>
    %dma_start3A_15 = tpu.memref_squeeze %dma_start3A_14 : memref<1x128x128xf32, #tpu.memory_space<vmem>> -> memref<128x128xf32, #tpu.memory_space<vmem>>
    %dma_start3A_16 = arith.constant 0 : i32
    %dma_start3A_17 = tpu.memref_slice %arg6[%dma_start3A, %dma_start3A_16] : memref<100x128xi32, #tpu.memory_space<vmem>> -> memref<1x128xi32, #tpu.memory_space<vmem>>
    %dma_start3A_18 = tpu.memref_squeeze %dma_start3A_17 : memref<1x128xi32, #tpu.memory_space<vmem>> -> memref<128xi32, #tpu.memory_space<vmem>>
    %dma_start3A_19 = arith.constant 0 : i32
    %dma_start3A_20 = arith.constant 0 : i32
    %dma_start3A_21 = tpu.memref_slice %arg7[%dma_start3A_19, %dma_start3A_20] : memref<3328x128xf32, #tpu.memory_space<vmem_shared>> -> memref<3328x128xf32, #tpu.memory_space<vmem_shared>>
    tpu.enqueue_indirect_dma source(%dma_start3A_21 : memref<3328x128xf32, #tpu.memory_space<vmem_shared>>) target(%dma_start3A_15 : memref<128x128xf32, #tpu.memory_space<vmem>>) offsets(%dma_start3A_18 : memref<128xi32, #tpu.memory_space<vmem>>) semaphore(%arg9 : memref<!tpu.dma_semaphore, #tpu.memory_space<semaphore_mem>>)
    %dma_start3A_22 = arith.constant 1 : i32
    %dma_start3A_23 = arith.constant 1 : i32
    %dma_start3A_24 = arith.constant 0 : i32
    %dma_start3A_25 = arith.constant 0 : i32
    %dma_start3A_26 = tpu.memref_slice %arg8[%dma_start3A_23, %dma_start3A_24, %dma_start3A_25] : memref<4x128x128xf32, #tpu.memory_space<vmem>> -> memref<1x128x128xf32, #tpu.memory_space<vmem>>
    %dma_start3A_27 = tpu.memref_squeeze %dma_start3A_26 : memref<1x128x128xf32, #tpu.memory_space<vmem>> -> memref<128x128xf32, #tpu.memory_space<vmem>>
    %dma_start3A_28 = arith.constant 0 : i32
    %dma_start3A_29 = tpu.memref_slice %arg6[%dma_start3A_22, %dma_start3A_28] : memref<100x128xi32, #tpu.memory_space<vmem>> -> memref<1x128xi32, #tpu.memory_space<vmem>>
    %dma_start3A_30 = tpu.memref_squeeze %dma_start3A_29 : memref<1x128xi32, #tpu.memory_space<vmem>> -> memref<128xi32, #tpu.memory_space<vmem>>
    %dma_start3A_31 = arith.constant 0 : i32
    %dma_start3A_32 = arith.constant 0 : i32
    %dma_start3A_33 = tpu.memref_slice %arg7[%dma_start3A_31, %dma_start3A_32] : memref<3328x128xf32, #tpu.memory_space<vmem_shared>> -> memref<3328x128xf32, #tpu.memory_space<vmem_shared>>
    tpu.enqueue_indirect_dma source(%dma_start3A_33 : memref<3328x128xf32, #tpu.memory_space<vmem_shared>>) target(%dma_start3A_27 : memref<128x128xf32, #tpu.memory_space<vmem>>) offsets(%dma_start3A_30 : memref<128xi32, #tpu.memory_space<vmem>>) semaphore(%arg10 : memref<!tpu.dma_semaphore, #tpu.memory_space<semaphore_mem>>)
    %dma_start3A_34 = arith.constant 2 : i32
    %dma_start3A_35 = arith.constant 2 : i32
    %dma_start3A_36 = arith.constant 0 : i32
    %dma_start3A_37 = arith.constant 0 : i32
    %dma_start3A_38 = tpu.memref_slice %arg8[%dma_start3A_35, %dma_start3A_36, %dma_start3A_37] : memref<4x128x128xf32, #tpu.memory_space<vmem>> -> memref<1x128x128xf32, #tpu.memory_space<vmem>>
    %dma_start3A_39 = tpu.memref_squeeze %dma_start3A_38 : memref<1x128x128xf32, #tpu.memory_space<vmem>> -> memref<128x128xf32, #tpu.memory_space<vmem>>
    %dma_start3A_40 = arith.constant 0 : i32
    %dma_start3A_41 = tpu.memref_slice %arg6[%dma_start3A_34, %dma_start3A_40] : memref<100x128xi32, #tpu.memory_space<vmem>> -> memref<1x128xi32, #tpu.memory_space<vmem>>
    %dma_start3A_42 = tpu.memref_squeeze %dma_start3A_41 : memref<1x128xi32, #tpu.memory_space<vmem>> -> memref<128xi32, #tpu.memory_space<vmem>>
    %dma_start3A_43 = arith.constant 0 : i32
    %dma_start3A_44 = arith.constant 0 : i32
    %dma_start3A_45 = tpu.memref_slice %arg7[%dma_start3A_43, %dma_start3A_44] : memref<3328x128xf32, #tpu.memory_space<vmem_shared>> -> memref<3328x128xf32, #tpu.memory_space<vmem_shared>>
    tpu.enqueue_indirect_dma source(%dma_start3A_45 : memref<3328x128xf32, #tpu.memory_space<vmem_shared>>) target(%dma_start3A_39 : memref<128x128xf32, #tpu.memory_space<vmem>>) offsets(%dma_start3A_42 : memref<128xi32, #tpu.memory_space<vmem>>) semaphore(%arg11 : memref<!tpu.dma_semaphore, #tpu.memory_space<semaphore_mem>>)
    %dma_start3A_46 = arith.constant 3 : i32
    %dma_start3A_47 = arith.constant 3 : i32
    %dma_start3A_48 = arith.constant 0 : i32
    %dma_start3A_49 = arith.constant 0 : i32
    %dma_start3A_50 = tpu.memref_slice %arg8[%dma_start3A_47, %dma_start3A_48, %dma_start3A_49] : memref<4x128x128xf32, #tpu.memory_space<vmem>> -> memref<1x128x128xf32, #tpu.memory_space<vmem>>
    %dma_start3A_51 = tpu.memref_squeeze %dma_start3A_50 : memref<1x128x128xf32, #tpu.memory_space<vmem>> -> memref<128x128xf32, #tpu.memory_space<vmem>>
    %dma_start3A_52 = arith.constant 0 : i32
    %dma_start3A_53 = tpu.memref_slice %arg6[%dma_start3A_46, %dma_start3A_52] : memref<100x128xi32, #tpu.memory_space<vmem>> -> memref<1x128xi32, #tpu.memory_space<vmem>>
    %dma_start3A_54 = tpu.memref_squeeze %dma_start3A_53 : memref<1x128xi32, #tpu.memory_space<vmem>> -> memref<128xi32, #tpu.memory_space<vmem>>
    %dma_start3A_55 = arith.constant 0 : i32
    %dma_start3A_56 = arith.constant 0 : i32
    %dma_start3A_57 = tpu.memref_slice %arg7[%dma_start3A_55, %dma_start3A_56] : memref<3328x128xf32, #tpu.memory_space<vmem_shared>> -> memref<3328x128xf32, #tpu.memory_space<vmem_shared>>
    tpu.enqueue_indirect_dma source(%dma_start3A_57 : memref<3328x128xf32, #tpu.memory_space<vmem_shared>>) target(%dma_start3A_51 : memref<128x128xf32, #tpu.memory_space<vmem>>) offsets(%dma_start3A_54 : memref<128xi32, #tpu.memory_space<vmem>>) semaphore(%arg12 : memref<!tpu.dma_semaphore, #tpu.memory_space<semaphore_mem>>)
    %scan3A_58 = arith.constant 0 : i32
    %scan3A_59 = arith.constant 0 : i32
    %scan3A_60 = arith.constant 25 : i32
    %scan3A_61 = arith.addi %scan3A_59, %scan3A_60 : i32
    %scan3A_62 = arith.constant 1 : i32
    %scan3A_63 = scf.for %scan3A_65 = %scan3A_59 to %scan3A_61 step %scan3A_62 iter_args(%scan3A_66 = %scan3A_58) -> (i32)  : i32 {
      %mul3A_67 = arith.constant 4 : i32
      %mul3A_68 = arith.muli %scan3A_65, %mul3A_67 : i32
      %add3A_69 = arith.constant 0 : i32
      %add3A_70 = arith.addi %mul3A_68, %add3A_69 : i32
      %dma_wait3A = arith.constant 0 : i32
      %dma_wait3A_71 = arith.constant 0 : i32
      %dma_wait3A_72 = arith.constant 0 : i32
      %dma_wait3A_73 = arith.constant 0 : i32
      %dma_wait3A_74 = tpu.memref_slice %arg8[%dma_wait3A_71, %dma_wait3A_72, %dma_wait3A_73] : memref<4x128x128xf32, #tpu.memory_space<vmem>> -> memref<1x128x128xf32, #tpu.memory_space<vmem>>
      %dma_wait3A_75 = tpu.memref_squeeze %dma_wait3A_74 : memref<1x128x128xf32, #tpu.memory_space<vmem>> -> memref<128x128xf32, #tpu.memory_space<vmem>>
      %dma_wait3A_76 = arith.constant 0 : i32
      %dma_wait3A_77 = tpu.memref_slice %arg6[%dma_wait3A, %dma_wait3A_76] : memref<100x128xi32, #tpu.memory_space<vmem>> -> memref<1x128xi32, #tpu.memory_space<vmem>>
      %dma_wait3A_78 = tpu.memref_squeeze %dma_wait3A_77 : memref<1x128xi32, #tpu.memory_space<vmem>> -> memref<128xi32, #tpu.memory_space<vmem>>
      %dma_wait3A_79 = arith.constant 0 : i32
      %dma_wait3A_80 = arith.constant 0 : i32
      %dma_wait3A_81 = tpu.memref_slice %arg7[%dma_wait3A_79, %dma_wait3A_80] : memref<3328x128xf32, #tpu.memory_space<vmem_shared>> -> memref<3328x128xf32, #tpu.memory_space<vmem_shared>>
      tpu.wait_indirect_dma semaphore(%arg9 : memref<!tpu.dma_semaphore, #tpu.memory_space<semaphore_mem>>) src(%dma_wait3A_81 : memref<3328x128xf32, #tpu.memory_space<vmem_shared>>) dst(%dma_wait3A_75 : memref<128x128xf32, #tpu.memory_space<vmem>>)
      %mul3A_82 = arith.constant 128 : i32
      %mul3A_83 = arith.muli %add3A_70, %mul3A_82 : i32
      %add3A_84 = arith.addi %mul3A_2, %mul3A_83 : i32
      %dma_start3A_85 = arith.constant 0 : i32
      %dma_start3A_86 = arith.constant 0 : i32
      %dma_start3A_87 = arith.constant 0 : i32
      %dma_start3A_88 = tpu.memref_slice %arg8[%dma_start3A_85, %dma_start3A_86, %dma_start3A_87] : memref<4x128x128xf32, #tpu.memory_space<vmem>> -> memref<1x128x128xf32, #tpu.memory_space<vmem>>
      %dma_start3A_89 = tpu.memref_squeeze %dma_start3A_88 : memref<1x128x128xf32, #tpu.memory_space<vmem>> -> memref<128x128xf32, #tpu.memory_space<vmem>>
      %dma_start3A_90 = arith.constant 0 : i32
      %dma_start3A_91 = tpu.memref_slice %arg4[%add3A_84, %dma_start3A_90] : memref<409600x128xf32, #tpu.memory_space<hbm>> -> memref<128x128xf32, #tpu.memory_space<hbm>>
      %dma_start3A_92 = arith.constant 0 : i32
      %dma_start3A_93 = tpu.memref_slice %arg4[%add3A_84, %dma_start3A_92] : memref<409600x128xf32, #tpu.memory_space<hbm>> -> memref<128x128xf32, #tpu.memory_space<hbm>>
      %dma_start3A_94 = arith.constant 0 : i32
      %dma_start3A_95 = arith.constant 0 : i32
      %dma_start3A_96 = tpu.memref_slice %arg8[%dma_start3A_85, %dma_start3A_94, %dma_start3A_95] : memref<4x128x128xf32, #tpu.memory_space<vmem>> -> memref<1x128x128xf32, #tpu.memory_space<vmem>>
      %dma_start3A_97 = tpu.memref_squeeze %dma_start3A_96 : memref<1x128x128xf32, #tpu.memory_space<vmem>> -> memref<128x128xf32, #tpu.memory_space<vmem>>
      tpu.enqueue_dma source(%dma_start3A_97 : memref<128x128xf32, #tpu.memory_space<vmem>>) target(%dma_start3A_93 : memref<128x128xf32, #tpu.memory_space<hbm>>) target_semaphore(%arg13 : memref<!tpu.dma_semaphore, #tpu.memory_space<semaphore_mem>>)
      %mul3A_98 = arith.constant 4 : i32
      %mul3A_99 = arith.muli %scan3A_65, %mul3A_98 : i32
      %add3A_100 = arith.constant 1 : i32
      %add3A_101 = arith.addi %mul3A_99, %add3A_100 : i32
      %dma_wait3A_102 = arith.constant 0 : i32
      %dma_wait3A_103 = arith.constant 1 : i32
      %dma_wait3A_104 = arith.constant 0 : i32
      %dma_wait3A_105 = arith.constant 0 : i32
      %dma_wait3A_106 = tpu.memref_slice %arg8[%dma_wait3A_103, %dma_wait3A_104, %dma_wait3A_105] : memref<4x128x128xf32, #tpu.memory_space<vmem>> -> memref<1x128x128xf32, #tpu.memory_space<vmem>>
      %dma_wait3A_107 = tpu.memref_squeeze %dma_wait3A_106 : memref<1x128x128xf32, #tpu.memory_space<vmem>> -> memref<128x128xf32, #tpu.memory_space<vmem>>
      %dma_wait3A_108 = arith.constant 0 : i32
      %dma_wait3A_109 = tpu.memref_slice %arg6[%dma_wait3A_102, %dma_wait3A_108] : memref<100x128xi32, #tpu.memory_space<vmem>> -> memref<1x128xi32, #tpu.memory_space<vmem>>
      %dma_wait3A_110 = tpu.memref_squeeze %dma_wait3A_109 : memref<1x128xi32, #tpu.memory_space<vmem>> -> memref<128xi32, #tpu.memory_space<vmem>>
      %dma_wait3A_111 = arith.constant 0 : i32
      %dma_wait3A_112 = arith.constant 0 : i32
      %dma_wait3A_113 = tpu.memref_slice %arg7[%dma_wait3A_111, %dma_wait3A_112] : memref<3328x128xf32, #tpu.memory_space<vmem_shared>> -> memref<3328x128xf32, #tpu.memory_space<vmem_shared>>
      tpu.wait_indirect_dma semaphore(%arg10 : memref<!tpu.dma_semaphore, #tpu.memory_space<semaphore_mem>>) src(%dma_wait3A_113 : memref<3328x128xf32, #tpu.memory_space<vmem_shared>>) dst(%dma_wait3A_107 : memref<128x128xf32, #tpu.memory_space<vmem>>)
      %mul3A_114 = arith.constant 128 : i32
      %mul3A_115 = arith.muli %add3A_101, %mul3A_114 : i32
      %add3A_116 = arith.addi %mul3A_2, %mul3A_115 : i32
      %dma_start3A_117 = arith.constant 1 : i32
      %dma_start3A_118 = arith.constant 0 : i32
      %dma_start3A_119 = arith.constant 0 : i32
      %dma_start3A_120 = tpu.memref_slice %arg8[%dma_start3A_117, %dma_start3A_118, %dma_start3A_119] : memref<4x128x128xf32, #tpu.memory_space<vmem>> -> memref<1x128x128xf32, #tpu.memory_space<vmem>>
      %dma_start3A_121 = tpu.memref_squeeze %dma_start3A_120 : memref<1x128x128xf32, #tpu.memory_space<vmem>> -> memref<128x128xf32, #tpu.memory_space<vmem>>
      %dma_start3A_122 = arith.constant 0 : i32
      %dma_start3A_123 = tpu.memref_slice %arg4[%add3A_116, %dma_start3A_122] : memref<409600x128xf32, #tpu.memory_space<hbm>> -> memref<128x128xf32, #tpu.memory_space<hbm>>
      %dma_start3A_124 = arith.constant 0 : i32
      %dma_start3A_125 = tpu.memref_slice %arg4[%add3A_116, %dma_start3A_124] : memref<409600x128xf32, #tpu.memory_space<hbm>> -> memref<128x128xf32, #tpu.memory_space<hbm>>
      %dma_start3A_126 = arith.constant 0 : i32
      %dma_start3A_127 = arith.constant 0 : i32
      %dma_start3A_128 = tpu.memref_slice %arg8[%dma_start3A_117, %dma_start3A_126, %dma_start3A_127] : memref<4x128x128xf32, #tpu.memory_space<vmem>> -> memref<1x128x128xf32, #tpu.memory_space<vmem>>
      %dma_start3A_129 = tpu.memref_squeeze %dma_start3A_128 : memref<1x128x128xf32, #tpu.memory_space<vmem>> -> memref<128x128xf32, #tpu.memory_space<vmem>>
      tpu.enqueue_dma source(%dma_start3A_129 : memref<128x128xf32, #tpu.memory_space<vmem>>) target(%dma_start3A_125 : memref<128x128xf32, #tpu.memory_space<hbm>>) target_semaphore(%arg14 : memref<!tpu.dma_semaphore, #tpu.memory_space<semaphore_mem>>)
      %mul3A_130 = arith.constant 4 : i32
      %mul3A_131 = arith.muli %scan3A_65, %mul3A_130 : i32
      %add3A_132 = arith.constant 2 : i32
      %add3A_133 = arith.addi %mul3A_131, %add3A_132 : i32
      %dma_wait3A_134 = arith.constant 0 : i32
      %dma_wait3A_135 = arith.constant 2 : i32
      %dma_wait3A_136 = arith.constant 0 : i32
      %dma_wait3A_137 = arith.constant 0 : i32
      %dma_wait3A_138 = tpu.memref_slice %arg8[%dma_wait3A_135, %dma_wait3A_136, %dma_wait3A_137] : memref<4x128x128xf32, #tpu.memory_space<vmem>> -> memref<1x128x128xf32, #tpu.memory_space<vmem>>
      %dma_wait3A_139 = tpu.memref_squeeze %dma_wait3A_138 : memref<1x128x128xf32, #tpu.memory_space<vmem>> -> memref<128x128xf32, #tpu.memory_space<vmem>>
      %dma_wait3A_140 = arith.constant 0 : i32
      %dma_wait3A_141 = tpu.memref_slice %arg6[%dma_wait3A_134, %dma_wait3A_140] : memref<100x128xi32, #tpu.memory_space<vmem>> -> memref<1x128xi32, #tpu.memory_space<vmem>>
      %dma_wait3A_142 = tpu.memref_squeeze %dma_wait3A_141 : memref<1x128xi32, #tpu.memory_space<vmem>> -> memref<128xi32, #tpu.memory_space<vmem>>
      %dma_wait3A_143 = arith.constant 0 : i32
      %dma_wait3A_144 = arith.constant 0 : i32
      %dma_wait3A_145 = tpu.memref_slice %arg7[%dma_wait3A_143, %dma_wait3A_144] : memref<3328x128xf32, #tpu.memory_space<vmem_shared>> -> memref<3328x128xf32, #tpu.memory_space<vmem_shared>>
      tpu.wait_indirect_dma semaphore(%arg11 : memref<!tpu.dma_semaphore, #tpu.memory_space<semaphore_mem>>) src(%dma_wait3A_145 : memref<3328x128xf32, #tpu.memory_space<vmem_shared>>) dst(%dma_wait3A_139 : memref<128x128xf32, #tpu.memory_space<vmem>>)
      %mul3A_146 = arith.constant 128 : i32
      %mul3A_147 = arith.muli %add3A_133, %mul3A_146 : i32
      %add3A_148 = arith.addi %mul3A_2, %mul3A_147 : i32
      %dma_start3A_149 = arith.constant 2 : i32
      %dma_start3A_150 = arith.constant 0 : i32
      %dma_start3A_151 = arith.constant 0 : i32
      %dma_start3A_152 = tpu.memref_slice %arg8[%dma_start3A_149, %dma_start3A_150, %dma_start3A_151] : memref<4x128x128xf32, #tpu.memory_space<vmem>> -> memref<1x128x128xf32, #tpu.memory_space<vmem>>
      %dma_start3A_153 = tpu.memref_squeeze %dma_start3A_152 : memref<1x128x128xf32, #tpu.memory_space<vmem>> -> memref<128x128xf32, #tpu.memory_space<vmem>>
      %dma_start3A_154 = arith.constant 0 : i32
      %dma_start3A_155 = tpu.memref_slice %arg4[%add3A_148, %dma_start3A_154] : memref<409600x128xf32, #tpu.memory_space<hbm>> -> memref<128x128xf32, #tpu.memory_space<hbm>>
      %dma_start3A_156 = arith.constant 0 : i32
      %dma_start3A_157 = tpu.memref_slice %arg4[%add3A_148, %dma_start3A_156] : memref<409600x128xf32, #tpu.memory_space<hbm>> -> memref<128x128xf32, #tpu.memory_space<hbm>>
      %dma_start3A_158 = arith.constant 0 : i32
      %dma_start3A_159 = arith.constant 0 : i32
      %dma_start3A_160 = tpu.memref_slice %arg8[%dma_start3A_149, %dma_start3A_158, %dma_start3A_159] : memref<4x128x128xf32, #tpu.memory_space<vmem>> -> memref<1x128x128xf32, #tpu.memory_space<vmem>>
      %dma_start3A_161 = tpu.memref_squeeze %dma_start3A_160 : memref<1x128x128xf32, #tpu.memory_space<vmem>> -> memref<128x128xf32, #tpu.memory_space<vmem>>
      tpu.enqueue_dma source(%dma_start3A_161 : memref<128x128xf32, #tpu.memory_space<vmem>>) target(%dma_start3A_157 : memref<128x128xf32, #tpu.memory_space<hbm>>) target_semaphore(%arg15 : memref<!tpu.dma_semaphore, #tpu.memory_space<semaphore_mem>>)
      %mul3A_162 = arith.constant 4 : i32
      %mul3A_163 = arith.muli %scan3A_65, %mul3A_162 : i32
      %add3A_164 = arith.constant 3 : i32
      %add3A_165 = arith.addi %mul3A_163, %add3A_164 : i32
      %dma_wait3A_166 = arith.constant 0 : i32
      %dma_wait3A_167 = arith.constant 3 : i32
      %dma_wait3A_168 = arith.constant 0 : i32
      %dma_wait3A_169 = arith.constant 0 : i32
      %dma_wait3A_170 = tpu.memref_slice %arg8[%dma_wait3A_167, %dma_wait3A_168, %dma_wait3A_169] : memref<4x128x128xf32, #tpu.memory_space<vmem>> -> memref<1x128x128xf32, #tpu.memory_space<vmem>>
      %dma_wait3A_171 = tpu.memref_squeeze %dma_wait3A_170 : memref<1x128x128xf32, #tpu.memory_space<vmem>> -> memref<128x128xf32, #tpu.memory_space<vmem>>
      %dma_wait3A_172 = arith.constant 0 : i32
      %dma_wait3A_173 = tpu.memref_slice %arg6[%dma_wait3A_166, %dma_wait3A_172] : memref<100x128xi32, #tpu.memory_space<vmem>> -> memref<1x128xi32, #tpu.memory_space<vmem>>
      %dma_wait3A_174 = tpu.memref_squeeze %dma_wait3A_173 : memref<1x128xi32, #tpu.memory_space<vmem>> -> memref<128xi32, #tpu.memory_space<vmem>>
      %dma_wait3A_175 = arith.constant 0 : i32
      %dma_wait3A_176 = arith.constant 0 : i32
      %dma_wait3A_177 = tpu.memref_slice %arg7[%dma_wait3A_175, %dma_wait3A_176] : memref<3328x128xf32, #tpu.memory_space<vmem_shared>> -> memref<3328x128xf32, #tpu.memory_space<vmem_shared>>
      tpu.wait_indirect_dma semaphore(%arg12 : memref<!tpu.dma_semaphore, #tpu.memory_space<semaphore_mem>>) src(%dma_wait3A_177 : memref<3328x128xf32, #tpu.memory_space<vmem_shared>>) dst(%dma_wait3A_171 : memref<128x128xf32, #tpu.memory_space<vmem>>)
      %mul3A_178 = arith.constant 128 : i32
      %mul3A_179 = arith.muli %add3A_165, %mul3A_178 : i32
      %add3A_180 = arith.addi %mul3A_2, %mul3A_179 : i32
      %dma_start3A_181 = arith.constant 3 : i32
      %dma_start3A_182 = arith.constant 0 : i32
      %dma_start3A_183 = arith.constant 0 : i32
      %dma_start3A_184 = tpu.memref_slice %arg8[%dma_start3A_181, %dma_start3A_182, %dma_start3A_183] : memref<4x128x128xf32, #tpu.memory_space<vmem>> -> memref<1x128x128xf32, #tpu.memory_space<vmem>>
      %dma_start3A_185 = tpu.memref_squeeze %dma_start3A_184 : memref<1x128x128xf32, #tpu.memory_space<vmem>> -> memref<128x128xf32, #tpu.memory_space<vmem>>
      %dma_start3A_186 = arith.constant 0 : i32
      %dma_start3A_187 = tpu.memref_slice %arg4[%add3A_180, %dma_start3A_186] : memref<409600x128xf32, #tpu.memory_space<hbm>> -> memref<128x128xf32, #tpu.memory_space<hbm>>
      %dma_start3A_188 = arith.constant 0 : i32
      %dma_start3A_189 = tpu.memref_slice %arg4[%add3A_180, %dma_start3A_188] : memref<409600x128xf32, #tpu.memory_space<hbm>> -> memref<128x128xf32, #tpu.memory_space<hbm>>
      %dma_start3A_190 = arith.constant 0 : i32
      %dma_start3A_191 = arith.constant 0 : i32
      %dma_start3A_192 = tpu.memref_slice %arg8[%dma_start3A_181, %dma_start3A_190, %dma_start3A_191] : memref<4x128x128xf32, #tpu.memory_space<vmem>> -> memref<1x128x128xf32, #tpu.memory_space<vmem>>
      %dma_start3A_193 = tpu.memref_squeeze %dma_start3A_192 : memref<1x128x128xf32, #tpu.memory_space<vmem>> -> memref<128x128xf32, #tpu.memory_space<vmem>>
      tpu.enqueue_dma source(%dma_start3A_193 : memref<128x128xf32, #tpu.memory_space<vmem>>) target(%dma_start3A_189 : memref<128x128xf32, #tpu.memory_space<hbm>>) target_semaphore(%arg16 : memref<!tpu.dma_semaphore, #tpu.memory_space<semaphore_mem>>)
      %mul3A_194 = arith.constant 4 : i32
      %mul3A_195 = arith.muli %scan3A_65, %mul3A_194 : i32
      %add3A_196 = arith.constant 0 : i32
      %add3A_197 = arith.addi %mul3A_195, %add3A_196 : i32
      %mul3A_198 = arith.constant 128 : i32
      %mul3A_199 = arith.muli %add3A_197, %mul3A_198 : i32
      %add3A_200 = arith.addi %mul3A_2, %mul3A_199 : i32
      %dma_wait3A_201 = arith.constant 0 : i32
      %dma_wait3A_202 = arith.constant 0 : i32
      %dma_wait3A_203 = arith.constant 0 : i32
      %dma_wait3A_204 = tpu.memref_slice %arg8[%dma_wait3A_201, %dma_wait3A_202, %dma_wait3A_203] : memref<4x128x128xf32, #tpu.memory_space<vmem>> -> memref<1x128x128xf32, #tpu.memory_space<vmem>>
      %dma_wait3A_205 = tpu.memref_squeeze %dma_wait3A_204 : memref<1x128x128xf32, #tpu.memory_space<vmem>> -> memref<128x128xf32, #tpu.memory_space<vmem>>
      %dma_wait3A_206 = arith.constant 0 : i32
      %dma_wait3A_207 = tpu.memref_slice %arg4[%add3A_200, %dma_wait3A_206] : memref<409600x128xf32, #tpu.memory_space<hbm>> -> memref<128x128xf32, #tpu.memory_space<hbm>>
      %dma_wait3A_208 = arith.constant 0 : i32
      %dma_wait3A_209 = tpu.memref_slice %arg4[%add3A_200, %dma_wait3A_208] : memref<409600x128xf32, #tpu.memory_space<hbm>> -> memref<128x128xf32, #tpu.memory_space<hbm>>
      %dma_wait3A_210 = arith.constant 0 : i32
      %dma_wait3A_211 = arith.constant 0 : i32
      %dma_wait3A_212 = tpu.memref_slice %arg8[%dma_wait3A_201, %dma_wait3A_210, %dma_wait3A_211] : memref<4x128x128xf32, #tpu.memory_space<vmem>> -> memref<1x128x128xf32, #tpu.memory_space<vmem>>
      %dma_wait3A_213 = tpu.memref_squeeze %dma_wait3A_212 : memref<1x128x128xf32, #tpu.memory_space<vmem>> -> memref<128x128xf32, #tpu.memory_space<vmem>>
      tpu.wait_dma2 semaphore(%arg13 : memref<!tpu.dma_semaphore, #tpu.memory_space<semaphore_mem>>) src(%dma_wait3A_213 : memref<128x128xf32, #tpu.memory_space<vmem>>) dst(%dma_wait3A_209 : memref<128x128xf32, #tpu.memory_space<hbm>>)
      %add3A_214 = arith.constant 4 : i32
      %add3A_215 = arith.addi %add3A_197, %add3A_214 : i32
      %lt3A = arith.constant 100 : i32
      %lt3A_216 = arith.cmpi slt, %add3A_215, %lt3A : i32
      %convert_element_type3A_217 = arith.extui %lt3A_216 : i1 to i32
      %cond3A_218 = arith.constant 0 : i32
      %cond3A_219 = arith.cmpi ne, %convert_element_type3A_217, %cond3A_218 : i32
      scf.if %cond3A_219 {
        %dma_start3A_302 = arith.constant 0 : i32
        %dma_start3A_303 = arith.constant 0 : i32
        %dma_start3A_304 = arith.constant 0 : i32
        %dma_start3A_305 = tpu.memref_slice %arg8[%dma_start3A_302, %dma_start3A_303, %dma_start3A_304] : memref<4x128x128xf32, #tpu.memory_space<vmem>> -> memref<1x128x128xf32, #tpu.memory_space<vmem>>
        %dma_start3A_306 = tpu.memref_squeeze %dma_start3A_305 : memref<1x128x128xf32, #tpu.memory_space<vmem>> -> memref<128x128xf32, #tpu.memory_space<vmem>>
        %dma_start3A_307 = arith.constant 0 : i32
        %dma_start3A_308 = tpu.memref_slice %arg6[%add3A_215, %dma_start3A_307] : memref<100x128xi32, #tpu.memory_space<vmem>> -> memref<1x128xi32, #tpu.memory_space<vmem>>
        %dma_start3A_309 = tpu.memref_squeeze %dma_start3A_308 : memref<1x128xi32, #tpu.memory_space<vmem>> -> memref<128xi32, #tpu.memory_space<vmem>>
        %dma_start3A_310 = arith.constant 0 : i32
        %dma_start3A_311 = arith.constant 0 : i32
        %dma_start3A_312 = tpu.memref_slice %arg7[%dma_start3A_310, %dma_start3A_311] : memref<3328x128xf32, #tpu.memory_space<vmem_shared>> -> memref<3328x128xf32, #tpu.memory_space<vmem_shared>>
        tpu.enqueue_indirect_dma source(%dma_start3A_312 : memref<3328x128xf32, #tpu.memory_space<vmem_shared>>) target(%dma_start3A_306 : memref<128x128xf32, #tpu.memory_space<vmem>>) offsets(%dma_start3A_309 : memref<128xi32, #tpu.memory_space<vmem>>) semaphore(%arg9 : memref<!tpu.dma_semaphore, #tpu.memory_space<semaphore_mem>>)
      } else {
      }
      %mul3A_220 = arith.constant 4 : i32
      %mul3A_221 = arith.muli %scan3A_65, %mul3A_220 : i32
      %add3A_222 = arith.constant 1 : i32
      %add3A_223 = arith.addi %mul3A_221, %add3A_222 : i32
      %mul3A_224 = arith.constant 128 : i32
      %mul3A_225 = arith.muli %add3A_223, %mul3A_224 : i32
      %add3A_226 = arith.addi %mul3A_2, %mul3A_225 : i32
      %dma_wait3A_227 = arith.constant 1 : i32
      %dma_wait3A_228 = arith.constant 0 : i32
      %dma_wait3A_229 = arith.constant 0 : i32
      %dma_wait3A_230 = tpu.memref_slice %arg8[%dma_wait3A_227, %dma_wait3A_228, %dma_wait3A_229] : memref<4x128x128xf32, #tpu.memory_space<vmem>> -> memref<1x128x128xf32, #tpu.memory_space<vmem>>
      %dma_wait3A_231 = tpu.memref_squeeze %dma_wait3A_230 : memref<1x128x128xf32, #tpu.memory_space<vmem>> -> memref<128x128xf32, #tpu.memory_space<vmem>>
      %dma_wait3A_232 = arith.constant 0 : i32
      %dma_wait3A_233 = tpu.memref_slice %arg4[%add3A_226, %dma_wait3A_232] : memref<409600x128xf32, #tpu.memory_space<hbm>> -> memref<128x128xf32, #tpu.memory_space<hbm>>
      %dma_wait3A_234 = arith.constant 0 : i32
      %dma_wait3A_235 = tpu.memref_slice %arg4[%add3A_226, %dma_wait3A_234] : memref<409600x128xf32, #tpu.memory_space<hbm>> -> memref<128x128xf32, #tpu.memory_space<hbm>>
      %dma_wait3A_236 = arith.constant 0 : i32
      %dma_wait3A_237 = arith.constant 0 : i32
      %dma_wait3A_238 = tpu.memref_slice %arg8[%dma_wait3A_227, %dma_wait3A_236, %dma_wait3A_237] : memref<4x128x128xf32, #tpu.memory_space<vmem>> -> memref<1x128x128xf32, #tpu.memory_space<vmem>>
      %dma_wait3A_239 = tpu.memref_squeeze %dma_wait3A_238 : memref<1x128x128xf32, #tpu.memory_space<vmem>> -> memref<128x128xf32, #tpu.memory_space<vmem>>
      tpu.wait_dma2 semaphore(%arg14 : memref<!tpu.dma_semaphore, #tpu.memory_space<semaphore_mem>>) src(%dma_wait3A_239 : memref<128x128xf32, #tpu.memory_space<vmem>>) dst(%dma_wait3A_235 : memref<128x128xf32, #tpu.memory_space<hbm>>)
      %add3A_240 = arith.constant 4 : i32
      %add3A_241 = arith.addi %add3A_223, %add3A_240 : i32
      %lt3A_242 = arith.constant 100 : i32
      %lt3A_243 = arith.cmpi slt, %add3A_241, %lt3A_242 : i32
      %convert_element_type3A_244 = arith.extui %lt3A_243 : i1 to i32
      %cond3A_245 = arith.constant 0 : i32
      %cond3A_246 = arith.cmpi ne, %convert_element_type3A_244, %cond3A_245 : i32
      scf.if %cond3A_246 {
        %dma_start3A_302 = arith.constant 1 : i32
        %dma_start3A_303 = arith.constant 0 : i32
        %dma_start3A_304 = arith.constant 0 : i32
        %dma_start3A_305 = tpu.memref_slice %arg8[%dma_start3A_302, %dma_start3A_303, %dma_start3A_304] : memref<4x128x128xf32, #tpu.memory_space<vmem>> -> memref<1x128x128xf32, #tpu.memory_space<vmem>>
        %dma_start3A_306 = tpu.memref_squeeze %dma_start3A_305 : memref<1x128x128xf32, #tpu.memory_space<vmem>> -> memref<128x128xf32, #tpu.memory_space<vmem>>
        %dma_start3A_307 = arith.constant 0 : i32
        %dma_start3A_308 = tpu.memref_slice %arg6[%add3A_241, %dma_start3A_307] : memref<100x128xi32, #tpu.memory_space<vmem>> -> memref<1x128xi32, #tpu.memory_space<vmem>>
        %dma_start3A_309 = tpu.memref_squeeze %dma_start3A_308 : memref<1x128xi32, #tpu.memory_space<vmem>> -> memref<128xi32, #tpu.memory_space<vmem>>
        %dma_start3A_310 = arith.constant 0 : i32
        %dma_start3A_311 = arith.constant 0 : i32
        %dma_start3A_312 = tpu.memref_slice %arg7[%dma_start3A_310, %dma_start3A_311] : memref<3328x128xf32, #tpu.memory_space<vmem_shared>> -> memref<3328x128xf32, #tpu.memory_space<vmem_shared>>
        tpu.enqueue_indirect_dma source(%dma_start3A_312 : memref<3328x128xf32, #tpu.memory_space<vmem_shared>>) target(%dma_start3A_306 : memref<128x128xf32, #tpu.memory_space<vmem>>) offsets(%dma_start3A_309 : memref<128xi32, #tpu.memory_space<vmem>>) semaphore(%arg10 : memref<!tpu.dma_semaphore, #tpu.memory_space<semaphore_mem>>)
      } else {
      }
      %mul3A_247 = arith.constant 4 : i32
      %mul3A_248 = arith.muli %scan3A_65, %mul3A_247 : i32
      %add3A_249 = arith.constant 2 : i32
      %add3A_250 = arith.addi %mul3A_248, %add3A_249 : i32
      %mul3A_251 = arith.constant 128 : i32
      %mul3A_252 = arith.muli %add3A_250, %mul3A_251 : i32
      %add3A_253 = arith.addi %mul3A_2, %mul3A_252 : i32
      %dma_wait3A_254 = arith.constant 2 : i32
      %dma_wait3A_255 = arith.constant 0 : i32
      %dma_wait3A_256 = arith.constant 0 : i32
      %dma_wait3A_257 = tpu.memref_slice %arg8[%dma_wait3A_254, %dma_wait3A_255, %dma_wait3A_256] : memref<4x128x128xf32, #tpu.memory_space<vmem>> -> memref<1x128x128xf32, #tpu.memory_space<vmem>>
      %dma_wait3A_258 = tpu.memref_squeeze %dma_wait3A_257 : memref<1x128x128xf32, #tpu.memory_space<vmem>> -> memref<128x128xf32, #tpu.memory_space<vmem>>
      %dma_wait3A_259 = arith.constant 0 : i32
      %dma_wait3A_260 = tpu.memref_slice %arg4[%add3A_253, %dma_wait3A_259] : memref<409600x128xf32, #tpu.memory_space<hbm>> -> memref<128x128xf32, #tpu.memory_space<hbm>>
      %dma_wait3A_261 = arith.constant 0 : i32
      %dma_wait3A_262 = tpu.memref_slice %arg4[%add3A_253, %dma_wait3A_261] : memref<409600x128xf32, #tpu.memory_space<hbm>> -> memref<128x128xf32, #tpu.memory_space<hbm>>
      %dma_wait3A_263 = arith.constant 0 : i32
      %dma_wait3A_264 = arith.constant 0 : i32
      %dma_wait3A_265 = tpu.memref_slice %arg8[%dma_wait3A_254, %dma_wait3A_263, %dma_wait3A_264] : memref<4x128x128xf32, #tpu.memory_space<vmem>> -> memref<1x128x128xf32, #tpu.memory_space<vmem>>
      %dma_wait3A_266 = tpu.memref_squeeze %dma_wait3A_265 : memref<1x128x128xf32, #tpu.memory_space<vmem>> -> memref<128x128xf32, #tpu.memory_space<vmem>>
      tpu.wait_dma2 semaphore(%arg15 : memref<!tpu.dma_semaphore, #tpu.memory_space<semaphore_mem>>) src(%dma_wait3A_266 : memref<128x128xf32, #tpu.memory_space<vmem>>) dst(%dma_wait3A_262 : memref<128x128xf32, #tpu.memory_space<hbm>>)
      %add3A_267 = arith.constant 4 : i32
      %add3A_268 = arith.addi %add3A_250, %add3A_267 : i32
      %lt3A_269 = arith.constant 100 : i32
      %lt3A_270 = arith.cmpi slt, %add3A_268, %lt3A_269 : i32
      %convert_element_type3A_271 = arith.extui %lt3A_270 : i1 to i32
      %cond3A_272 = arith.constant 0 : i32
      %cond3A_273 = arith.cmpi ne, %convert_element_type3A_271, %cond3A_272 : i32
      scf.if %cond3A_273 {
        %dma_start3A_302 = arith.constant 2 : i32
        %dma_start3A_303 = arith.constant 0 : i32
        %dma_start3A_304 = arith.constant 0 : i32
        %dma_start3A_305 = tpu.memref_slice %arg8[%dma_start3A_302, %dma_start3A_303, %dma_start3A_304] : memref<4x128x128xf32, #tpu.memory_space<vmem>> -> memref<1x128x128xf32, #tpu.memory_space<vmem>>
        %dma_start3A_306 = tpu.memref_squeeze %dma_start3A_305 : memref<1x128x128xf32, #tpu.memory_space<vmem>> -> memref<128x128xf32, #tpu.memory_space<vmem>>
        %dma_start3A_307 = arith.constant 0 : i32
        %dma_start3A_308 = tpu.memref_slice %arg6[%add3A_268, %dma_start3A_307] : memref<100x128xi32, #tpu.memory_space<vmem>> -> memref<1x128xi32, #tpu.memory_space<vmem>>
        %dma_start3A_309 = tpu.memref_squeeze %dma_start3A_308 : memref<1x128xi32, #tpu.memory_space<vmem>> -> memref<128xi32, #tpu.memory_space<vmem>>
        %dma_start3A_310 = arith.constant 0 : i32
        %dma_start3A_311 = arith.constant 0 : i32
        %dma_start3A_312 = tpu.memref_slice %arg7[%dma_start3A_310, %dma_start3A_311] : memref<3328x128xf32, #tpu.memory_space<vmem_shared>> -> memref<3328x128xf32, #tpu.memory_space<vmem_shared>>
        tpu.enqueue_indirect_dma source(%dma_start3A_312 : memref<3328x128xf32, #tpu.memory_space<vmem_shared>>) target(%dma_start3A_306 : memref<128x128xf32, #tpu.memory_space<vmem>>) offsets(%dma_start3A_309 : memref<128xi32, #tpu.memory_space<vmem>>) semaphore(%arg11 : memref<!tpu.dma_semaphore, #tpu.memory_space<semaphore_mem>>)
      } else {
      }
      %mul3A_274 = arith.constant 4 : i32
      %mul3A_275 = arith.muli %scan3A_65, %mul3A_274 : i32
      %add3A_276 = arith.constant 3 : i32
      %add3A_277 = arith.addi %mul3A_275, %add3A_276 : i32
      %mul3A_278 = arith.constant 128 : i32
      %mul3A_279 = arith.muli %add3A_277, %mul3A_278 : i32
      %add3A_280 = arith.addi %mul3A_2, %mul3A_279 : i32
      %dma_wait3A_281 = arith.constant 3 : i32
      %dma_wait3A_282 = arith.constant 0 : i32
      %dma_wait3A_283 = arith.constant 0 : i32
      %dma_wait3A_284 = tpu.memref_slice %arg8[%dma_wait3A_281, %dma_wait3A_282, %dma_wait3A_283] : memref<4x128x128xf32, #tpu.memory_space<vmem>> -> memref<1x128x128xf32, #tpu.memory_space<vmem>>
      %dma_wait3A_285 = tpu.memref_squeeze %dma_wait3A_284 : memref<1x128x128xf32, #tpu.memory_space<vmem>> -> memref<128x128xf32, #tpu.memory_space<vmem>>
      %dma_wait3A_286 = arith.constant 0 : i32
      %dma_wait3A_287 = tpu.memref_slice %arg4[%add3A_280, %dma_wait3A_286] : memref<409600x128xf32, #tpu.memory_space<hbm>> -> memref<128x128xf32, #tpu.memory_space<hbm>>
      %dma_wait3A_288 = arith.constant 0 : i32
      %dma_wait3A_289 = tpu.memref_slice %arg4[%add3A_280, %dma_wait3A_288] : memref<409600x128xf32, #tpu.memory_space<hbm>> -> memref<128x128xf32, #tpu.memory_space<hbm>>
      %dma_wait3A_290 = arith.constant 0 : i32
      %dma_wait3A_291 = arith.constant 0 : i32
      %dma_wait3A_292 = tpu.memref_slice %arg8[%dma_wait3A_281, %dma_wait3A_290, %dma_wait3A_291] : memref<4x128x128xf32, #tpu.memory_space<vmem>> -> memref<1x128x128xf32, #tpu.memory_space<vmem>>
      %dma_wait3A_293 = tpu.memref_squeeze %dma_wait3A_292 : memref<1x128x128xf32, #tpu.memory_space<vmem>> -> memref<128x128xf32, #tpu.memory_space<vmem>>
      tpu.wait_dma2 semaphore(%arg16 : memref<!tpu.dma_semaphore, #tpu.memory_space<semaphore_mem>>) src(%dma_wait3A_293 : memref<128x128xf32, #tpu.memory_space<vmem>>) dst(%dma_wait3A_289 : memref<128x128xf32, #tpu.memory_space<hbm>>)
      %add3A_294 = arith.constant 4 : i32
      %add3A_295 = arith.addi %add3A_277, %add3A_294 : i32
      %lt3A_296 = arith.constant 100 : i32
      %lt3A_297 = arith.cmpi slt, %add3A_295, %lt3A_296 : i32
      %convert_element_type3A_298 = arith.extui %lt3A_297 : i1 to i32
      %cond3A_299 = arith.constant 0 : i32
      %cond3A_300 = arith.cmpi ne, %convert_element_type3A_298, %cond3A_299 : i32
      scf.if %cond3A_300 {
        %dma_start3A_302 = arith.constant 3 : i32
        %dma_start3A_303 = arith.constant 0 : i32
        %dma_start3A_304 = arith.constant 0 : i32
        %dma_start3A_305 = tpu.memref_slice %arg8[%dma_start3A_302, %dma_start3A_303, %dma_start3A_304] : memref<4x128x128xf32, #tpu.memory_space<vmem>> -> memref<1x128x128xf32, #tpu.memory_space<vmem>>
        %dma_start3A_306 = tpu.memref_squeeze %dma_start3A_305 : memref<1x128x128xf32, #tpu.memory_space<vmem>> -> memref<128x128xf32, #tpu.memory_space<vmem>>
        %dma_start3A_307 = arith.constant 0 : i32
        %dma_start3A_308 = tpu.memref_slice %arg6[%add3A_295, %dma_start3A_307] : memref<100x128xi32, #tpu.memory_space<vmem>> -> memref<1x128xi32, #tpu.memory_space<vmem>>
        %dma_start3A_309 = tpu.memref_squeeze %dma_start3A_308 : memref<1x128xi32, #tpu.memory_space<vmem>> -> memref<128xi32, #tpu.memory_space<vmem>>
        %dma_start3A_310 = arith.constant 0 : i32
        %dma_start3A_311 = arith.constant 0 : i32
        %dma_start3A_312 = tpu.memref_slice %arg7[%dma_start3A_310, %dma_start3A_311] : memref<3328x128xf32, #tpu.memory_space<vmem_shared>> -> memref<3328x128xf32, #tpu.memory_space<vmem_shared>>
        tpu.enqueue_indirect_dma source(%dma_start3A_312 : memref<3328x128xf32, #tpu.memory_space<vmem_shared>>) target(%dma_start3A_306 : memref<128x128xf32, #tpu.memory_space<vmem>>) offsets(%dma_start3A_309 : memref<128xi32, #tpu.memory_space<vmem>>) semaphore(%arg12 : memref<!tpu.dma_semaphore, #tpu.memory_space<semaphore_mem>>)
      } else {
      }
      %scan3A_301 = arith.constant 0 : i32
      scf.yield %scan3A_301 : i32
    }
    %scan3A_64 = arith.constant 25 : i32
    return
  }
}

module attributes {stable_mosaic.version = 14 : i64} {
  func.func @_table_body(%arg0: memref<25x128xf32, #tpu.memory_space<vmem>>, %arg1: memref<25x64xf32, #tpu.memory_space<vmem>>, %arg2: memref<128x192xf32, #tpu.memory_space<vmem>>, %arg3: memref<128xf32, #tpu.memory_space<vmem>>, %arg4: memref<104x128xf32, #tpu.memory_space<vmem>>, %arg5: memref<128xf32, #tpu.memory_space<vmem>>, %arg6: memref<128xf32, #tpu.memory_space<vmem>>, %arg7: memref<104x32x128xf32, #tpu.memory_space<vmem>>) attributes {dimension_semantics = [], scalar_prefetch = 0 : i64, scratch_operands = 0 : i64, tpu.core_type = #tpu.core_type<tc>} {
    %iota3A = tpu.iota {dimensions = array<i32: 0>} : vector<25x1xi32>
    %ne3A = arith.constant 0 : i32
    %ne3A_0 = vector.broadcast %ne3A : i32 to vector<25x1xi32>
    %ne3A_1 = arith.cmpi ne, %iota3A, %ne3A_0 : vector<25x1xi32>
    %convert_element_type3A = arith.extui %ne3A_1 : vector<25x1xi1> to vector<25x1xi32>
    %convert_element_type3A_2 = arith.sitofp %convert_element_type3A : vector<25x1xi32> to vector<25x1xf32>
    %get3A = arith.constant 0 : index
    %get3A_3 = arith.constant 0 : index
    %get3A_4 = vector.load %arg0[%get3A, %get3A_3] : memref<25x128xf32, #tpu.memory_space<vmem>>, vector<25x128xf32>
    %mul3A = vector.broadcast %convert_element_type3A_2 : vector<25x1xf32> to vector<25x128xf32>
    %mul3A_5 = arith.mulf %get3A_4, %mul3A : vector<25x128xf32>
    %get3A_6 = arith.constant 0 : index
    %get3A_7 = arith.constant 0 : index
    %get3A_8 = vector.load %arg1[%get3A_6, %get3A_7] : memref<25x64xf32, #tpu.memory_space<vmem>>, vector<25x64xf32>
    %mul3A_9 = vector.broadcast %convert_element_type3A_2 : vector<25x1xf32> to vector<25x64xf32>
    %mul3A_10 = arith.mulf %get3A_8, %mul3A_9 : vector<25x64xf32>
    %get3A_11 = arith.constant 0 : index
    %get3A_12 = arith.constant 0 : index
    %get3A_13 = vector.load %arg2[%get3A_11, %get3A_12] : memref<128x192xf32, #tpu.memory_space<vmem>>, vector<128x192xf32>
    %slice3A = vector.extract_strided_slice %get3A_13 {offsets = [0, 0], sizes = [128, 128], strides = [1, 1]} : vector<128x192xf32> to vector<128x128xf32>
    %slice3A_14 = vector.extract_strided_slice %get3A_13 {offsets = [0, 128], sizes = [128, 64], strides = [1, 1]} : vector<128x192xf32> to vector<128x64xf32>
    %dot_general3A = arith.constant dense<0.000000e+00> : vector<25x128xf32>
    %dot_general3A_15 = tpu.matmul %mul3A_5, %slice3A, %dot_general3A {dimension_numbers = #tpu.dot_dimension_numbers<[1], [1], [0], [0], [0, 0, 1, 0], [], []>, transpose_lhs_hint = false} : vector<25x128xf32>, vector<128x128xf32>, vector<25x128xf32> -> vector<25x128xf32>
    %dot_general3A_16 = arith.constant dense<0.000000e+00> : vector<25x128xf32>
    %dot_general3A_17 = tpu.matmul %mul3A_10, %slice3A_14, %dot_general3A_16 {dimension_numbers = #tpu.dot_dimension_numbers<[1], [1], [0], [0], [0, 0, 1, 0], [], []>, transpose_lhs_hint = false} : vector<25x64xf32>, vector<128x64xf32>, vector<25x128xf32> -> vector<25x128xf32>
    %add3A = arith.addf %dot_general3A_15, %dot_general3A_17 : vector<25x128xf32>
    %get3A_18 = arith.constant 0 : index
    %get3A_19 = arith.constant 0 : index
    %get3A_20 = vector.load %arg4[%get3A_18, %get3A_19] : memref<104x128xf32, #tpu.memory_space<vmem>>, vector<104x128xf32>
    %dot_general3A_21 = arith.constant dense<0.000000e+00> : vector<104x128xf32>
    %dot_general3A_22 = tpu.matmul %get3A_20, %slice3A, %dot_general3A_21 {dimension_numbers = #tpu.dot_dimension_numbers<[1], [1], [0], [0], [0, 0, 1, 0], [], []>, transpose_lhs_hint = false} : vector<104x128xf32>, vector<128x128xf32>, vector<104x128xf32> -> vector<104x128xf32>
    %get3A_23 = arith.constant 0 : index
    %get3A_24 = vector.load %arg3[%get3A_23] : memref<128xf32, #tpu.memory_space<vmem>>, vector<128xf32>
    %broadcast_in_dim3A = vector.shape_cast %get3A_24 : vector<128xf32> to vector<1x128xf32>
    %add3A_25 = vector.broadcast %broadcast_in_dim3A : vector<1x128xf32> to vector<104x128xf32>
    %add3A_26 = arith.addf %dot_general3A_22, %add3A_25 : vector<104x128xf32>
    %broadcast_in_dim3A_27 = arith.constant 0.000000e+00 : f32
    %broadcast_in_dim3A_28 = vector.broadcast %broadcast_in_dim3A_27 : f32 to vector<7x128xf32>
    %concatenate3A = tpu.concatenate %add3A, %broadcast_in_dim3A_28 in 0 : vector<25x128xf32>, vector<7x128xf32> -> vector<32x128xf32>
    %broadcast_in_dim3A_29 = vector.shape_cast %add3A_26 : vector<104x128xf32> to vector<104x1x128xf32>
    %broadcast_in_dim3A_30 = vector.shape_cast %concatenate3A : vector<32x128xf32> to vector<1x32x128xf32>
    %add3A_31 = vector.broadcast %broadcast_in_dim3A_29 : vector<104x1x128xf32> to vector<104x32x128xf32>
    %add3A_32 = vector.broadcast %broadcast_in_dim3A_30 : vector<1x32x128xf32> to vector<104x32x128xf32>
    %add3A_33 = arith.addf %add3A_31, %add3A_32 : vector<104x32x128xf32>
    %reduce_sum3A = arith.constant dense<0.000000e+00> : vector<104x32xf32>
    %reduce_sum3A_34 = vector.multi_reduction <add>, %add3A_33, %reduce_sum3A [2] : vector<104x32x128xf32> to vector<104x32xf32>
    %broadcast_in_dim3A_35 = vector.shape_cast %reduce_sum3A_34 : vector<104x32xf32> to vector<104x32x1xf32>
    %div3A = arith.constant 1.280000e+02 : f32
    %div3A_36 = vector.broadcast %div3A : f32 to vector<104x32x1xf32>
    %div3A_37 = arith.divf %broadcast_in_dim3A_35, %div3A_36 : vector<104x32x1xf32>
    %sub3A = vector.broadcast %div3A_37 : vector<104x32x1xf32> to vector<104x32x128xf32>
    %sub3A_38 = arith.subf %add3A_33, %sub3A : vector<104x32x128xf32>
    %integer_pow3A = arith.mulf %sub3A_38, %sub3A_38 : vector<104x32x128xf32>
    %reduce_sum3A_39 = arith.constant dense<0.000000e+00> : vector<104x32xf32>
    %reduce_sum3A_40 = vector.multi_reduction <add>, %integer_pow3A, %reduce_sum3A_39 [2] : vector<104x32x128xf32> to vector<104x32xf32>
    %broadcast_in_dim3A_41 = vector.shape_cast %reduce_sum3A_40 : vector<104x32xf32> to vector<104x32x1xf32>
    %div3A_42 = arith.constant 1.280000e+02 : f32
    %div3A_43 = vector.broadcast %div3A_42 : f32 to vector<104x32x1xf32>
    %div3A_44 = arith.divf %broadcast_in_dim3A_41, %div3A_43 : vector<104x32x1xf32>
    %sub3A_45 = vector.broadcast %div3A_37 : vector<104x32x1xf32> to vector<104x32x128xf32>
    %sub3A_46 = arith.subf %add3A_33, %sub3A_45 : vector<104x32x128xf32>
    %add3A_47 = arith.constant 9.99999974E-6 : f32
    %add3A_48 = vector.broadcast %add3A_47 : f32 to vector<104x32x1xf32>
    %add3A_49 = arith.addf %div3A_44, %add3A_48 : vector<104x32x1xf32>
    %rsqrt3A = math.rsqrt %add3A_49 : vector<104x32x1xf32>
    %mul3A_50 = vector.broadcast %rsqrt3A : vector<104x32x1xf32> to vector<104x32x128xf32>
    %mul3A_51 = arith.mulf %sub3A_46, %mul3A_50 : vector<104x32x128xf32>
    %get3A_52 = arith.constant 0 : index
    %get3A_53 = vector.load %arg5[%get3A_52] : memref<128xf32, #tpu.memory_space<vmem>>, vector<128xf32>
    %broadcast_in_dim3A_54 = vector.shape_cast %get3A_53 : vector<128xf32> to vector<1x1x128xf32>
    %mul3A_55 = vector.broadcast %broadcast_in_dim3A_54 : vector<1x1x128xf32> to vector<104x32x128xf32>
    %mul3A_56 = arith.mulf %mul3A_51, %mul3A_55 : vector<104x32x128xf32>
    %get3A_57 = arith.constant 0 : index
    %get3A_58 = vector.load %arg6[%get3A_57] : memref<128xf32, #tpu.memory_space<vmem>>, vector<128xf32>
    %broadcast_in_dim3A_59 = vector.shape_cast %get3A_58 : vector<128xf32> to vector<1x1x128xf32>
    %add3A_60 = vector.broadcast %broadcast_in_dim3A_59 : vector<1x1x128xf32> to vector<104x32x128xf32>
    %add3A_61 = arith.addf %mul3A_56, %add3A_60 : vector<104x32x128xf32>
    %swap3A = arith.constant 0 : index
    %swap3A_62 = arith.constant 0 : index
    %swap3A_63 = arith.constant 0 : index
    %swap3A_64 = vector.load %arg7[%swap3A, %swap3A_62, %swap3A_63] : memref<104x32x128xf32, #tpu.memory_space<vmem>>, vector<104x32x128xf32>
    tpu.vector_store %arg7[%swap3A, %swap3A_62, %swap3A_63], %add3A_61 {strides = array<i32>} : memref<104x32x128xf32, #tpu.memory_space<vmem>>, vector<104x32x128xf32>,
    return
  }
}

</mosaic_0001>

<sc_bundles>
// kernel: kernel.4.cloned.1.call-start
scs
__scs_entry_jumppad:
0x0: {  	(pc) =	sbr.rel $0x88, $3  }
0x1: {  	(tag) =	ssettag $0x0;
	lr =	simm.s32 $0x1  }
0x2: {  	[smem:$0x3F9A] =	sst lr;
	_ =	strace $0xD0000000  }
0x3: {  	_ = 	snop  }
0x4: {  	_ = 	snop  }
0x5: {  	_ = 	snop  }
0x6: {  	_ = 	snop  }
0x7: {  	_ = 	snop  }
__scs_overlays_trampoline_lowered:
0x8: {  	[smem:$0x3FA9] =	sst s0  }
0x9: {  	[smem:$0x3FAA] =	sst s1  }
0xa: {  	[smem:$0x3FAB] =	sst s2  }
0xb: {  	[smem:$0x3FAC] =	sst s3  }
0xc: {  	[smem:$0x3FAD] =	sst s4  }
0xd: {  	[smem:$0x3FAE] =	sst s5  }
0xe: {  	[smem:$0x3FAF] =	sst s6  }
0xf: {  	[smem:$0x3FB0] =	sst s7  }
0x10: {  	[smem:$0x3FB1] =	sst s8  }
0x11: {  	[smem:$0x3FB2] =	sst s9;
	s0 =	simm.s32 @!p0 $0x0  }
0x12: {  	s1 =	sld [smem:$0x3F98];
	s0 =	simm.s32 @p0 $0x1  }
0x13: {  	[smem:$0x3FB3] =	sst s0;
	s0 =	simm.s32 @!p1 $0x0  }
0x14: {  	s2 =	sld [smem:$0x3F97];
	s0 =	simm.s32 @p1 $0x1  }
0x15: {  	[smem:$0x3FB4] =	sst s0;
	s0 =	simm.s32 @!p2 $0x0  }
0x16: {  	s3 =	sld [smem:$0x3FDB];
	s0 =	simm.s32 @p2 $0x1  }
0x17: {  	s4 =	simm.s32 $0x1BF5;
	[smem:$0x3FB6] =	sst s0  }
0x18: {  	s0 =	sld [smem:$0x3F99];
	_ =	swait.ge [sflag:s4], $0x0  }
0x19: {  	s7 =	sld [smem:$0x3F9A]  }
0x1a: {  	s8 =	sadd.s32 $0xFFFFE003, lr  }
0x1b: {  	s9 =	sadd.s32 $0xFFFFFEF7, lr;
	s5 =	simm.s32 $0xFFFFFFFF;
	p2 =	slt.u32 s8, $0xFFFFF086  }
0x1c: {  	p1 =	slt.u32 s9, $0xF7A;
	s5 =	simm.s32 @!p2 $0x0  }
0x1d: {  	s5 =	simm.s32 @p1 $0x1;
	p0 =	seq.s32 s7, s2  }
0x1e: {  	s7 =	smul.u32 @!p0 $0xF7A, s2;
	p2 =	seq.s32 @!p0 s5, $0x0  }
0x1f: {  	s9 =	smul.u32 $0xF7A, s1;
	s8 =	simm.s32 @!p0 $0x1BF5;
	p2 =	por !p2, p0  }
0x20: {  	[sflag:s8] =	ssyncset.s32 @!p0 $0xFFFFF086;
	s6 =	sadd.s32 @!p0 s3, s7;
	s7 =	simm.s32 @!p0 $0x108  }
0x21: {  	s3 =	sadd.s32 s3, s9;
	s6 =	sadd.s32 @!p0 $0x88, s6;
	s7 =	simm.s32 @p2 $0x1082  }
0x22: {  	[simem:s7], [sflag:s8] =	dma.local @!p0 [hbm:s6], $0xF7A  }
0x23: {  	s9 =	sor.u32 $0xD0000000, s2;
	s6 =	simm.s32 $0x108;
	_ =	swait.ge @!p0 [sflag:s8], $0x0  }
0x24: {  	s3 =	sadd.s32 $0x88, s3;
	s6 =	simm.s32 @!p1 $0x1082;
	[sflag:s4] =	ssyncset.s32 $0xFFFFF086  }
0x25: {  	[simem:s6], [sflag:s4] =	dma.local [hbm:s3], $0xF7A  }
0x26: {  	[smem:$0x3F9A] =	sst s1;
	(tag) =	ssettag s2;
	_ =	strace s9  }
0x27: {  	s1 =	sld [smem:$0x3FAA]  }
0x28: {  	s2 =	sld [smem:$0x3FAB]  }
0x29: {  	s4 =	sld [smem:$0x3FAD]  }
0x2a: {  	p0 =	seq.s32 s5, $0x0;
	s5 =	sld [smem:$0x3FAE]  }
0x2b: {  	s6 =	sld [smem:$0x3FAF]  }
0x2c: {  	s7 =	sld [smem:$0x3FB0]  }
0x2d: {  	s3 =	simm.s32 $0x108;
	s8 =	sld [smem:$0x3FB1]  }
0x2e: {  	s3 =	simm.s32 @!p0 $0x1082;
	s9 =	sld [smem:$0x3FB2]  }
0x2f: {  	lr =	sadd.s32 s0, s3;
	s0 =	sld [smem:$0x3FA9]  }
0x30: {  	s3 =	sld [smem:$0x3FAC]  }
0x31: {  	[smem:$0x3FB5] =	sst s10  }
0x32: {  	s10 =	sld [smem:$0x3FB3];
	_ =	sdelay $0x3  }
0x33: {  	p0 =	seq.s32 s10, $0x1;
	s10 =	sld [smem:$0x3FB5];
	_ =	sdelay $0x3  }
0x34: {  	[smem:$0x3FB5] =	sst s10  }
0x35: {  	s10 =	sld [smem:$0x3FB4];
	_ =	sdelay $0x3  }
0x36: {  	p1 =	seq.s32 s10, $0x1;
	s10 =	sld [smem:$0x3FB5];
	_ =	sdelay $0x3  }
0x37: {  	[smem:$0x3FB5] =	sst s10  }
0x38: {  	s10 =	sld [smem:$0x3FB6]  }
0x39: {  	_ = 	snop;
	(pc) =	sbr.ind lr, $3  }
0x3a: {  	_ = 	snop  }
0x3b: {  	_ = 	snop  }
0x3c: {  	p2 =	seq.s32 s10, $0x1;
	s10 =	sld [smem:$0x3FB5]  }
0x3d: {  	_ =	shalt  }
0x3e: {  	_ =	shalt  }
0x3f: {  	_ =	shalt  }
0x40: {  	_ =	shalt  }
0x41: {  	_ =	shalt  }
0x42: {  	_ =	shalt  }
0x43: {  	_ =	shalt  }
0x44: {  	_ =	shalt  }
0x45: {  	_ =	shalt  }
0x46: {  	_ =	shalt  }
0x47: {  	_ =	shalt  }
0x48: {  	_ =	shalt  }
0x49: {  	_ =	shalt  }
0x4a: {  	_ =	shalt  }
0x4b: {  	_ =	shalt  }
0x4c: {  	_ =	shalt  }
0x4d: {  	_ =	shalt  }
0x4e: {  	_ =	shalt  }
0x4f: {  	_ =	shalt  }
0x50: {  	_ =	shalt  }
0x51: {  	_ =	shalt  }
0x52: {  	_ =	shalt  }
0x53: {  	_ =	shalt  }
0x54: {  	_ =	shalt  }
0x55: {  	_ =	shalt  }
0x56: {  	_ =	shalt  }
0x57: {  	_ =	shalt  }
0x58: {  	_ =	shalt  }
0x59: {  	_ =	shalt  }
0x5a: {  	_ =	shalt  }
0x5b: {  	_ =	shalt  }
0x5c: {  	_ =	shalt  }
0x5d: {  	_ =	shalt  }
0x5e: {  	_ =	shalt  }
0x5f: {  	_ =	shalt  }
0x60: {  	_ =	shalt  }
0x61: {  	_ =	shalt  }
0x62: {  	_ =	shalt  }
0x63: {  	_ =	shalt  }
0x64: {  	_ =	shalt  }
0x65: {  	_ =	shalt  }
0x66: {  	_ =	shalt  }
0x67: {  	_ =	shalt  }
0x68: {  	_ =	shalt  }
0x69: {  	_ =	shalt  }
0x6a: {  	_ =	shalt  }
0x6b: {  	_ =	shalt  }
0x6c: {  	_ =	shalt  }
0x6d: {  	_ =	shalt  }
0x6e: {  	_ =	shalt  }
0x6f: {  	_ =	shalt  }
0x70: {  	_ =	shalt  }
0x71: {  	_ =	shalt  }
0x72: {  	_ =	shalt  }
0x73: {  	_ =	shalt  }
0x74: {  	_ =	shalt  }
0x75: {  	_ =	shalt  }
0x76: {  	_ =	shalt  }
0x77: {  	_ =	shalt  }
0x78: {  	_ =	shalt  }
0x79: {  	_ =	shalt  }
0x7a: {  	_ =	shalt  }
0x7b: {  	_ =	shalt  }
0x7c: {  	_ =	shalt  }
0x7d: {  	_ =	shalt  }
0x7e: {  	_ =	shalt  }
0x7f: {  	_ =	shalt  }
0x80: {  	_ =	shalt  }
0x81: {  	_ =	shalt  }
0x82: {  	_ =	shalt  }
0x83: {  	_ =	shalt  }
0x84: {  	_ =	shalt  }
0x85: {  	_ =	shalt  }
0x86: {  	_ =	shalt  }
0x87: {  	_ =	shalt  }
.Lfunc_end0:
.L_simem_size_0:
called_computation_lowered:
.L_overlay_start_0:
0x88: {  	s2 =	sld [smem:$0x3FD9]  }
0x89: {  	s3 =	sld [smem:$0x3FFE];
	_ =	sdelay $0x1  }
0x8a: {  	s1 =	srdreg.scid  }
0x8b: {  	s0 =	sand.u32 $0x1, s1  }
0x8c: {  	s17 =	sshll.u32 s0, $0xA;
	s2 =	sadd.s32 s3, s2  }
0x8d: {  	s2 =	sadd.s32 s2, s17  }
0x8e: {  	[smem:$0x3FC1] =	sst s2  }
0x8f: {  	_ = 	snop  }
0x90: {  	s2 =	sld [smem:$0x3FD0];
	(tm) =	ssettm $0x1  }
0x91: {  	s18 =	sld [smem:$0x3FFB];
	_ =	sdelay $0x3  }
0x92: {  	_ =	strace s18  }
0x93: {  	s3 =	sld [smem:$0x3FFC];
	_ =	sdelay $0x3  }
0x94: {  	_ =	strace s3  }
0x95: {  	s3 =	sld [smem:$0x3FFD];
	_ =	sdelay $0x3  }
0x96: {  	_ =	strace s3  }
0x97: {  	_ =	strace $0x8FFFFFFF  }
0x98: {  	s19 =	sld [smem:$0x3FDB];
	_ =	sdelay $0x1  }
0x99: {  	s4 =	simm.s32 $_scs_section_size  }
0x9a: {  	s5 =	simm.s32 $_size__tile_overlayer_lowered;
	s6 =	simm.s32 $_tile_overlayer_lowered  }
0x9b: {  	s22 =	simm.s32 $0x1BFF;
	s21 =	sshll.u32 s6, $0x1;
	s3 =	sadd.s32 s4, s19  }
0x9c: {  	s7 =	simm.s32 $0x0;
	s20 =	sshll.u32 s5, $0x1;
	s5 =	sadd.s32 s21, s3  }
0x9d: {  	[timem:s7], [sflag:s22] =	dma.local [hbm:s5], s20  }
0x9e: {  	_ =	swait.ge [sflag:s22], s20  }
0x9f: {  	s4 =	ssub.s32 $0x0, s20;
	[sflag:s22] =	ssyncset.done $0x0  }
0xa0: {  	[sflag:s22] =	ssyncadd.s32 s4;
	_ =	sdelay $0x1  }
0xa1: {  	s23 =	simm.s32 $0x1B8B  }
0xa2: {  	_ =	swait.ge [sflag:s23], $0x1  }
0xa3: {  	[sflag:s23] =	ssyncset.done $0x0  }
0xa4: {  	s25 =	simm.s32 $0x1B8E;
	s24 =	sld [smem:$0x3FFE];
	[sflag:s23] =	ssyncadd.s32 $0xFFFFFFFF  }
0xa5: {  	s26 =	simm.s32 $execute0_lowered;
	[smem:$0x3FD2] =	sst s25  }
0xa6: {  	s5 =	sshll.u32 s26, $0x1;
	_ =	strace $0x80000046;
	[dreg:$0x1] =	wrdreg $0xFFFFFFFF  }
0xa7: {  	s28 =	simm.s32 $_size_execute0_lowered;
	s3 =	sadd.s32 s3, s5;
	[dreg:$0x0] =	wrdreg $0x0  }
0xa8: {  	s5 =	sshll.u32 s28, $0x1;
	[dreg:$0x2] =	wrdreg s3  }
0xa9: {  	[dreg:$0x3] =	wrdreg s5  }
0xaa: {  	[dreg:$0x4] =	wrdreg $0xC0  }
0xab: {  	_ =	task [dreg:s7], $0x5FFFF  }
0xac: {  	[dreg:$0x1] =	wrdreg $0xFFFFFFFF  }
0xad: {  	[dreg:$0x0] =	wrdreg $0x60  }
0xae: {  	[dreg:$0x2] =	wrdreg s24  }
0xaf: {  	[dreg:$0x3] =	wrdreg s2  }
0xb0: {  	[dreg:$0x4] =	wrdreg $0x66000  }
0xb1: {  	[dreg:$0x5] =	wrdreg $0x9  }
0xb2: {  	_ =	task.clear_ibuf [dreg:s7], $0x6FFFF;
	_ =	strace $0x90000046  }
0xb3: {  	s29 =	simm.s32 $0x9;
	_ =	strace $0x80000048  }
0xb4: {  	_ =	swait.ge [sflag:s29], $0x1  }
0xb5: {  	[sflag:s29] =	ssyncadd.s32 $0xFFFFFFFF  }
0xb6: {  	_ =	strace $0x90000048  }
0xb7: {  	_ =	sfence  }
0xb8: {  	s30 =	sld [smem:$0x0];
	_ =	sdelay $0x2  }
0xb9: {  	s31 =	sshll.u32 s1, $0xD;
	s1 =	sshrl.u32 s1, $0x2  }
0xba: {  	s3 =	sand.u32 $0x4000, s31;
	s1 =	sadd.s32 s1, s30  }
0xbb: {  	s0 =	sor.u32 s3, s0;
	s1 =	sshll.u32 s1, $0x11  }
0xbc: {  	s0 =	sor.u32 s1, s0  }
0xbd: {  	s0 =	sadd.s32 $0x8F2B, s0  }
0xbe: {  	[sflag:s0] =	ssyncadd.remote.s32 $0x1  }
0xbf: {  	_ =	sfence.sel $0xFFFF  }
0xc0: {  	[dreg:$0x0] =	wrdreg $0xFFFFFFFF;
	(pc) =	sbr.abs _section_cstart, $3  }
0xc1: {  	[dreg:$0x1] =	wrdreg $0xFFFFFFFF  }
0xc2: {  	_ =	task.clear_ibuf [dreg:s7], $0x2FFFF;
	_ =	strace $0x9FFFFFFF  }
0xc3: {  	(tm) =	ssettm $0x7FFFFFFF  }
tec
execute0_lowered:
.L_overlay_start_1:
0x0: {  	(tag) =	ssettag $0x1  }
0x1: {  	s0 =	rddreg [dreg:$0x0]  }
0x2: {  	s4 =	rddreg [dreg:$0x1]  }
0x3: {  	s1 =	rddreg [dreg:$0x2];
	s10 =	stileid.u32  }
0x4: {  	s3 =	srdreg.scid;
	s2 =	simm.s32 $0x0;
	s12 =	smul.u32 $0x6400, s10  }
0x5: {  	s28 =	simm.s32 $0x4;
	s29 =	simm.s32 $0x5;
	s14 =	smul.u32 $0x320000, s10  }
0x6: {  	s30 =	simm.s32 $0x6;
	s11 =	sand.u32 $0x1, s3;
	s23 =	smul.u32 $0x64000, s10  }
0x7: {  	s31 =	simm.s32 $0x7;
	s15 =	sshll.u32 s10, $0x1;
	s13 =	smul.u32 $0x3200, s11  }
0x8: {  	[smem:$0x7FF] =	sst s2;
	s6 =	sadd.s32 $0xDA00, s0;
	s20 =	smul.u32 $0x190000, s11  }
0x9: {  	p0 =	sne.s32 s10, $0x0;
	s3 =	sor.u32 s11, s15;
	s25 =	smul.u32 $0x32000, s11  }
0xa: {  	_ =	strace $0x80000047;
	[dreg:$0x4] =	wrdreg s6;
	s5 =	smul.u32 $0x3200, s3  }
0xb: {  	s16 =	ssub.s32 $0x2, s11;
	s15 =	simm.s32 $0x80;
	s7 =	smul.u32 $0x190000, s3  }
0xc: {  	s8 =	sshrl.u32 s16, $0x1;
	s3 =	smul.u32 $0x32000, s3;
	s26 =	sadd.s32 s23, s4  }
0xd: {  	s23 =	simm.s32 $0x18E00;
	s17 =	ssub.s32 s16, s8;
	s21 =	sadd.s32 s13, s12  }
0xe: {  	s22 =	sadd.s32 s20, s14;
	s12 =	sadd.s32 s25, s26;
	s13 =	simm.s32 $0x9  }
0xf: {  	s14 =	sshrl.u32 @!p0 s1, $0x3;
	s25 =	simm.s32 $0x2;
	s26 =	simm.s32 $0x3  }
0x10: {  	s16 =	simm.s32 $0x0;
	s5 =	sshrl.u32 s5, $0x3;
	s18 =	sshrl.u32 s7, $0x3  }
0x11: {  	s19 =	sadd.s32 s4, s3;
	s3 =	sshrl.u32 s21, $0x7;
	s24 =	sshrl.u32 s22, $0x3  }
0x12: {  	s21 =	simm.s32 $0x14E00;
	s0 =	sadd.s32 s5, s0;
	s5 =	smax.u32 s17, $0x1  }
0x13: {  	s7 =	sadd.s32 $0x30800, s19;
	s8 =	sadd.s32 $0x31000, s19;
	s9 =	sadd.s32 $0x31800, s19  }
0x14: {  	s11 =	sadd.s32 s24, s4;
	s17 =	simm.s32 $0xCE00;
	s0 =	sadd.s32 $0x1200, s0  }
0x15: {  	s19 =	simm.s32 $0x10E00;
	[dreg:$0x5] =	wrdreg s0;
	s0 =	sadd.s32 s4, s18  }
0x16: {  	s24 =	simm.s32 $0x1;
	s6 =	sadd.s32 $0x30000, s0;
	s0 =	simm.s32 $0x8  }
.LBB2_1:
0x17: {  	s4 =	rddreg [dreg:$0x5]  }
0x18: {  	[tilespmem:s2], [sflag:$0x9] =	stream.linear.gather [hbm4b:s4+s2], $0x3200, $0x38;
	[tilespmem:$0x1CE00] =	vst v63  }
0x19: {  	_ =	swait.ge [sflag:s13], $0x3200  }
0x1a: {  	[sflag:s13] =	ssyncset.done $0x0  }
0x1b: {  	s4 =	simm.s32 @!p0 $0x1C09;
	s10 =	rddreg [dreg:$0x4];
	[sflag:s13] =	ssyncadd.s32 $0xFFFFCE00  }
0x1c: {  	[spmem:s14], [sflag:s4] =	dma.local @!p0 [hbm:s10], $0xD000  }
0x1d: {  	s4 =	simm.s32 @!p0 $0x9  }
0x1e: {  	_ =	swait.ge @!p0 [sflag:s4], $0xD000  }
0x1f: {  	[sflag:s4] =	ssyncset.done @!p0 $0x0  }
0x20: {  	s18 =	simm.s32 $0x0;
	[sflag:s4] =	ssyncadd.s32 @!p0 $0xFFFF3000  }
0x21: {  	v3 =	vld [tilespmem:s18+$0x70]  }
0x22: {  	v4 =	vld [tilespmem:s18+$0x0]  }
0x23: {  	v5 =	vld [tilespmem:s18+$0x10]  }
0x24: {  	v2 =	vld [tilespmem:s18+$0x20]  }
0x25: {  	s22 =	sand.u32 $0x1FFFFE0, s3;
	v0 =	vld [tilespmem:s18+$0x30]  }
0x26: {  	v1 =	vld [tilespmem:s18+$0x40];
	v6 =	vadd.s32 s22, v3  }
0x27: {  	v3 =	vld [tilespmem:s18+$0x50];
	v4 =	vadd.s32 s22, v4;
	[tilespmem:s18+$0x3270] =	vst v6  }
0x28: {  	s20 =	simm.s32 $0x80;
	s10 =	smov.u32 s3;
	s4 =	simm.s32 $0x400;
	v5 =	vadd.s32 s22, v5;
	[tilespmem:s18+$0x3200] =	vst v4;
	v4 =	vld [tilespmem:s18+$0x60]  }
.LBB2_2:
0x29: {  	p1 =	sne.s32 s4, $0xC600;
	v6 =	vld [tilespmem:s20+$0x70];
	[tilespmem:s18+$0x3210] =	vst v5;
	v2 =	vadd.s32 s22, v2  }
0x2a: {  	v5 =	vld [tilespmem:s20+$0x0];
	[tilespmem:s18+$0x3220] =	vst v2;
	v0 =	vadd.s32 s22, v0  }
0x2b: {  	v7 =	vld [tilespmem:s20+$0x10];
	[tilespmem:s18+$0x3230] =	vst v0;
	v0 =	vadd.s32 s22, v1  }
.Ltmp0:
0x2c: {  	s10 =	sadd.s32 $0x1, s10;
	v2 =	vld [tilespmem:s20+$0x20];
	[tilespmem:s18+$0x3240] =	vst v0;
	v1 =	vadd.s32 s22, v3;
	(pc) =	sbr.rel @p1 .LBB2_2-.Ltmp0, $4  }
0x2d: {  	v0 =	vld [tilespmem:s20+$0x30];
	[tilespmem:s18+$0x3250] =	vst v1;
	v3 =	vadd.s32 s22, v4;
	s22 =	sand.u32 $0x1FFFFE0, s10  }
0x2e: {  	v1 =	vld [tilespmem:s20+$0x40];
	v4 =	vadd.s32 s22, v6;
	[tilespmem:s18+$0x3260] =	vst v3;
	s18 =	smov.u32 s20  }
0x2f: {  	v5 =	vadd.s32 s22, v5;
	v3 =	vld [tilespmem:s18+$0x50];
	[tilespmem:s18+$0x3270] =	vst v4  }
0x30: {  	s20 =	sshra.s32 s4, $0x2;
	s4 =	sadd.s32 $0x200, s4;
	[tilespmem:s18+$0x3200] =	vst v5;
	v5 =	vadd.s32 s22, v7;
	v4 =	vld [tilespmem:s18+$0x60]  }
0x31: {  	v6 =	vld [tilespmem:s20+$0x70];
	[tilespmem:s18+$0x3210] =	vst v5;
	v2 =	vadd.s32 s22, v2  }
0x32: {  	v5 =	vld [tilespmem:s20+$0x0];
	[tilespmem:s18+$0x3220] =	vst v2;
	v0 =	vadd.s32 s22, v0  }
0x33: {  	v2 =	vld [tilespmem:s20+$0x10];
	[tilespmem:s18+$0x3230] =	vst v0;
	v49 =	vadd.s32 s22, v1  }
0x34: {  	s4 =	sadd.s32 $0x1, s10;
	v50 =	vld [tilespmem:s20+$0x20];
	[tilespmem:s18+$0x3240] =	vst v49;
	v51 =	vadd.s32 s22, v3  }
0x35: {  	s4 =	sand.u32 $0x1FFFFE0, s4;
	v52 =	vld [tilespmem:s20+$0x30];
	[tilespmem:s18+$0x3250] =	vst v51;
	v53 =	vadd.s32 s22, v4  }
0x36: {  	v54 =	vld [tilespmem:s20+$0x40];
	[tilespmem:s18+$0x3260] =	vst v53;
	v55 =	vadd.s32 s4, v6  }
0x37: {  	v56 =	vld [tilespmem:s20+$0x50];
	v5 =	vadd.s32 s4, v5;
	[tilespmem:s20+$0x3270] =	vst v55  }
0x38: {  	v58 =	vld [tilespmem:s20+$0x60];
	[tilespmem:s20+$0x3200] =	vst v5;
	v57 =	vadd.s32 s4, v2  }
0x39: {  	[tilespmem:s20+$0x3210] =	vst v57;
	v59 =	vadd.s32 s4, v50  }
0x3a: {  	[tilespmem:s20+$0x3220] =	vst v59;
	v60 =	vadd.s32 s4, v52  }
0x3b: {  	[tilespmem:s20+$0x3230] =	vst v60;
	v61 =	vadd.s32 s4, v54  }
0x3c: {  	[tilespmem:s20+$0x3240] =	vst v61;
	v62 =	vadd.s32 s4, v56  }
0x3d: {  	v63 =	vadd.s32 s4, v58;
	[tilespmem:s20+$0x3250] =	vst v62  }
0x3e: {  	[tilespmem:s20+$0x3260] =	vst v63  }
0x3f: {  	s10 =	simm.s32 $0x3200;
	[bflag:$0x0] =	sbarrier.arrive $0xFFFF  }
0x40: {  	[tilespmem:s17], [sflag:$0x1] =	stream.indirect.gather [spmem:s1], $0x80, s10, s15, $0xb8;
	[tilespmem:$0x1CE00] =	vst v63  }
0x41: {  	s18 =	simm.s32 $0x3280  }
0x42: {  	[tilespmem:s19], [sflag:$0x2] =	stream.indirect.gather [spmem:s1], $0x80, s18, s15, $0xb8;
	[tilespmem:$0x1CE00] =	vst v63  }
0x43: {  	s20 =	simm.s32 $0x3300  }
0x44: {  	[tilespmem:s21], [sflag:$0x3] =	stream.indirect.gather [spmem:s1], $0x80, s20, s15, $0xb8;
	[tilespmem:$0x1CE00] =	vst v63  }
0x45: {  	s22 =	simm.s32 $0x3380  }
0x46: {  	[tilespmem:s23], [sflag:$0x4] =	stream.indirect.gather [spmem:s1], $0x80, s22, s15, $0xb8;
	[tilespmem:$0x1CE00] =	vst v63  }
0x47: {  	_ =	swait.ge [sflag:s24], $0x4000  }
0x48: {  	[sflag:s24] =	ssyncset.done $0x0  }
0x49: {  	s10 =	sadd.s32 $0x0, s11;
	[sflag:s24] =	ssyncadd.s32 $0xFFFFC000  }
0x4a: {  	[hbm4b:s10+s2] =	stream.linear.scatter [tilespmem:s17], [sflag:$0x5], $0x4000, $0x38;
	[tilespmem:$0x1CE00] =	vst v63  }
0x4b: {  	_ =	swait.ge [sflag:s25], $0x4000  }
0x4c: {  	s18 =	sadd.s32 $0x0, s12;
	[sflag:s25] =	ssyncset.done $0x0  }
0x4d: {  	s20 =	sadd.s32 $0x800, s18;
	[sflag:s25] =	ssyncadd.s32 $0xFFFFC000  }
0x4e: {  	[hbm4b:s20+s2] =	stream.linear.scatter [tilespmem:s19], [sflag:$0x6], $0x4000, $0x38;
	[tilespmem:$0x1CE00] =	vst v63  }
0x4f: {  	_ =	swait.ge [sflag:s26], $0x4000  }
0x50: {  	[sflag:s26] =	ssyncset.done $0x0  }
0x51: {  	s22 =	sadd.s32 $0x1000, s18;
	[sflag:s26] =	ssyncadd.s32 $0xFFFFC000  }
0x52: {  	[hbm4b:s22+s2] =	stream.linear.scatter [tilespmem:s21], [sflag:$0x7], $0x4000, $0x38;
	[tilespmem:$0x1CE00] =	vst v63  }
0x53: {  	_ =	swait.ge [sflag:s28], $0x4000  }
0x54: {  	[sflag:s28] =	ssyncset.done $0x0  }
0x55: {  	s4 =	sadd.s32 $0x1800, s18;
	[sflag:s28] =	ssyncadd.s32 $0xFFFFC000  }
0x56: {  	[hbm4b:s4+s2] =	stream.linear.scatter [tilespmem:s23], [sflag:$0x8], $0x4000, $0x38;
	[tilespmem:$0x1CE00] =	vst v63  }
0x57: {  	_ =	swait.ge [sflag:s29], $0x4000  }
0x58: {  	[sflag:s29] =	ssyncset.done $0x0  }
0x59: {  	s18 =	simm.s32 $0x3400;
	[sflag:s29] =	ssyncadd.s32 $0xFFFFC000  }
0x5a: {  	[tilespmem:s17], [sflag:$0x1] =	stream.indirect.gather [spmem:s1], $0x80, s18, s15, $0xb8;
	[tilespmem:$0x1CE00] =	vst v63  }
0x5b: {  	_ =	swait.ge [sflag:s30], $0x4000  }
0x5c: {  	[sflag:s30] =	ssyncset.done $0x0  }
0x5d: {  	s20 =	simm.s32 $0x3480;
	[sflag:s30] =	ssyncadd.s32 $0xFFFFC000  }
0x5e: {  	[tilespmem:s19], [sflag:$0x2] =	stream.indirect.gather [spmem:s1], $0x80, s20, s15, $0xb8;
	[tilespmem:$0x1CE00] =	vst v63  }
0x5f: {  	_ =	swait.ge [sflag:s31], $0x4000  }
0x60: {  	[sflag:s31] =	ssyncset.done $0x0  }
0x61: {  	s22 =	simm.s32 $0x3500;
	[sflag:s31] =	ssyncadd.s32 $0xFFFFC000  }
0x62: {  	[tilespmem:s21], [sflag:$0x3] =	stream.indirect.gather [spmem:s1], $0x80, s22, s15, $0xb8;
	[tilespmem:$0x1CE00] =	vst v63  }
0x63: {  	_ =	swait.ge [sflag:s0], $0x4000  }
0x64: {  	s18 =	simm.s32 $0x3580;
	[sflag:s0] =	ssyncset.done $0x0  }
0x65: {  	s20 =	simm.s32 $0x2000;
	s22 =	simm.s32 $0x3780;
	[sflag:s0] =	ssyncadd.s32 $0xFFFFC000  }
.LBB2_4:
0x66: {  	[tilespmem:s23], [sflag:$0x4] =	stream.indirect.gather [spmem:s1], $0x80, s18, s15, $0xb8;
	[tilespmem:$0x1CE00] =	vst v63  }
0x67: {  	s4 =	smov.u32 s20;
	s18 =	smov.u32 s22  }
0x68: {  	p1 =	sne.s32 s20, $0x2E000;
	s20 =	sadd.s32 $0x2000, s20;
	_ =	swait.ge [sflag:s24], $0x4000  }
0x69: {  	[sflag:s24] =	ssyncset.done $0x0  }
0x6a: {  	s10 =	sadd.s32 s4, s11;
	[sflag:s24] =	ssyncadd.s32 $0xFFFFC000  }
0x6b: {  	[hbm4b:s10+s2] =	stream.linear.scatter [tilespmem:s17], [sflag:$0x5], $0x4000, $0x38;
	[tilespmem:$0x1CE00] =	vst v63  }
0x6c: {  	_ =	swait.ge [sflag:s25], $0x4000  }
0x6d: {  	s4 =	sadd.s32 s4, s12;
	[sflag:s25] =	ssyncset.done $0x0  }
0x6e: {  	s10 =	sadd.s32 $0x800, s4;
	[sflag:s25] =	ssyncadd.s32 $0xFFFFC000  }
0x6f: {  	[hbm4b:s10+s2] =	stream.linear.scatter [tilespmem:s19], [sflag:$0x6], $0x4000, $0x38;
	[tilespmem:$0x1CE00] =	vst v63  }
0x70: {  	_ =	swait.ge [sflag:s26], $0x4000  }
0x71: {  	[sflag:s26] =	ssyncset.done $0x0  }
0x72: {  	s10 =	sadd.s32 $0x1000, s4;
	[sflag:s26] =	ssyncadd.s32 $0xFFFFC000  }
0x73: {  	[hbm4b:s10+s2] =	stream.linear.scatter [tilespmem:s21], [sflag:$0x7], $0x4000, $0x38;
	[tilespmem:$0x1CE00] =	vst v63  }
0x74: {  	_ =	swait.ge [sflag:s28], $0x4000  }
0x75: {  	[sflag:s28] =	ssyncset.done $0x0  }
0x76: {  	s4 =	sadd.s32 $0x1800, s4;
	[sflag:s28] =	ssyncadd.s32 $0xFFFFC000  }
0x77: {  	[hbm4b:s4+s2] =	stream.linear.scatter [tilespmem:s23], [sflag:$0x8], $0x4000, $0x38;
	[tilespmem:$0x1CE00] =	vst v63  }
0x78: {  	_ =	swait.ge [sflag:s29], $0x4000  }
0x79: {  	[sflag:s29] =	ssyncset.done $0x0  }
0x7a: {  	s4 =	sadd.s32 $0xFFFFFE80, s22;
	[sflag:s29] =	ssyncadd.s32 $0xFFFFC000  }
0x7b: {  	[tilespmem:s17], [sflag:$0x1] =	stream.indirect.gather [spmem:s1], $0x80, s4, s15, $0xb8;
	[tilespmem:$0x1CE00] =	vst v63  }
0x7c: {  	_ =	swait.ge [sflag:s30], $0x4000  }
0x7d: {  	[sflag:s30] =	ssyncset.done $0x0  }
0x7e: {  	s4 =	sadd.s32 $0xFFFFFF00, s22;
	[sflag:s30] =	ssyncadd.s32 $0xFFFFC000  }
0x7f: {  	[tilespmem:s19], [sflag:$0x2] =	stream.indirect.gather [spmem:s1], $0x80, s4, s15, $0xb8;
	[tilespmem:$0x1CE00] =	vst v63  }
0x80: {  	_ =	swait.ge [sflag:s31], $0x4000  }
0x81: {  	[sflag:s31] =	ssyncset.done $0x0  }
.Ltmp1:
0x82: {  	s4 =	sadd.s32 $0xFFFFFF80, s22;
	[sflag:s31] =	ssyncadd.s32 $0xFFFFC000;
	(pc) =	sbr.rel @p1 .LBB2_4-.Ltmp1, $4  }
0x83: {  	[tilespmem:s21], [sflag:$0x3] =	stream.indirect.gather [spmem:s1], $0x80, s4, s15, $0xb8;
	[tilespmem:$0x1CE00] =	vst v63  }
0x84: {  	_ =	swait.ge [sflag:s0], $0x4000  }
0x85: {  	[sflag:s0] =	ssyncset.done $0x0  }
0x86: {  	s22 =	sadd.s32 $0x200, s22;
	[sflag:s0] =	ssyncadd.s32 $0xFFFFC000  }
0x87: {  	[tilespmem:s23], [sflag:$0x4] =	stream.indirect.gather [spmem:s1], $0x80, s18, s15, $0xb8;
	[tilespmem:$0x1CE00] =	vst v63  }
0x88: {  	_ =	swait.ge [sflag:s24], $0x4000  }
0x89: {  	[sflag:s24] =	ssyncset.done $0x0  }
0x8a: {  	[sflag:s24] =	ssyncadd.s32 $0xFFFFC000  }
0x8b: {  	[hbm4b:s6+s2] =	stream.linear.scatter [tilespmem:s17], [sflag:$0x5], $0x4000, $0x38;
	[tilespmem:$0x1CE00] =	vst v63  }
0x8c: {  	_ =	swait.ge [sflag:s25], $0x4000  }
0x8d: {  	[sflag:s25] =	ssyncset.done $0x0  }
0x8e: {  	[sflag:s25] =	ssyncadd.s32 $0xFFFFC000  }
0x8f: {  	[hbm4b:s7+s2] =	stream.linear.scatter [tilespmem:s19], [sflag:$0x6], $0x4000, $0x38;
	[tilespmem:$0x1CE00] =	vst v63  }
0x90: {  	_ =	swait.ge [sflag:s26], $0x4000  }
0x91: {  	[sflag:s26] =	ssyncset.done $0x0  }
0x92: {  	[sflag:s26] =	ssyncadd.s32 $0xFFFFC000  }
0x93: {  	[hbm4b:s8+s2] =	stream.linear.scatter [tilespmem:s21], [sflag:$0x7], $0x4000, $0x38;
	[tilespmem:$0x1CE00] =	vst v63  }
0x94: {  	_ =	swait.ge [sflag:s28], $0x4000  }
0x95: {  	[sflag:s28] =	ssyncset.done $0x0  }
0x96: {  	[sflag:s28] =	ssyncadd.s32 $0xFFFFC000  }
0x97: {  	[hbm4b:s9+s2] =	stream.linear.scatter [tilespmem:s23], [sflag:$0x8], $0x4000, $0x38;
	[tilespmem:$0x1CE00] =	vst v63  }
0x98: {  	_ =	swait.ge [sflag:s29], $0x4000  }
0x99: {  	[sflag:s29] =	ssyncset.done $0x0  }
0x9a: {  	[sflag:s29] =	ssyncadd.s32 $0xFFFFC000  }
0x9b: {  	_ =	swait.ge [sflag:s30], $0x4000  }
0x9c: {  	[sflag:s30] =	ssyncset.done $0x0  }
0x9d: {  	s16 =	sadd.s32 $0x1, s16;
	[sflag:s30] =	ssyncadd.s32 $0xFFFFC000  }
0x9e: {  	p1 =	sne.s32 s16, s5;
	_ =	swait.ge [sflag:s31], $0x4000  }
.Ltmp2:
0x9f: {  	[sflag:s31] =	ssyncset.done $0x0;
	(pc) =	sbr.rel @p1 .LBB2_1-.Ltmp2, $4  }
0xa0: {  	[sflag:s31] =	ssyncadd.s32 $0xFFFFC000  }
0xa1: {  	_ =	swait.ge [sflag:s0], $0x4000  }
0xa2: {  	[sflag:s0] =	ssyncset.done $0x0  }
0xa3: {  	[sflag:s0] =	ssyncadd.s32 $0xFFFFC000  }
0xa4: {  	_ =	sfence.sel $0x180000  }
0xa5: {  	[bflag:$0x0] =	sbarrier.arrive $0xFFFF  }
0xa6: {  	_ =	strace $0x90000047  }
0xa7: {  	[bflag:$0x2] =	sbarrier.arrive $0xFFFF  }
0xa8: {  	s0 =	rddreg [dreg:$0x3]  }
0xa9: {  	s0 =	sadd.s32 @!p0 $0x100000, s0  }
0xaa: {  	[sflag:s0] =	ssyncadd.tile.s32 @!p0 $0x1;
	_ =	shalt  }
.Lfunc_end2:
_tile_overlayer_lowered:
.L_overlay_start_2:
0xab: {  	(tag) =	ssettag $0x2  }
0xac: {  	s0 =	rddreg [dreg:$0x0];
	s2 =	stileid.u32  }
0xad: {  	s1 =	rddreg [dreg:$0x1];
	p0 =	sne.s32 s2, $0x0  }
0xae: {  	s3 =	rddreg [dreg:$0x2];
	[bflag:$0x3] =	sbarrier.arrive $0xFFFF;
	s2 =	simm.s32 @!p0 $0x1C09  }
0xaf: {  	[timem:s3], [sflag:s2] =	dma.local @!p0 [hbm:s0], s1  }
0xb0: {  	s0 =	simm.s32 @!p0 $0x9  }
0xb1: {  	_ =	swait.ge @!p0 [sflag:s0], s1  }
0xb2: {  	s1 =	ssub.s32 @!p0 $0x0, s1;
	[sflag:s0] =	ssyncset.done @!p0 $0x0  }
0xb3: {  	[sflag:s0] =	ssyncadd.s32 @!p0 s1  }
0xb4: {  	[bflag:$0x3] =	sbarrier.arrive $0xFFFF  }
0xb5: {  	_ =	shalt  }

</sc_bundles>
